<compile_context>
chip_gen: v7x
topology: tpu7x:2x2x1
jax: 0.10.2.dev20260603
libtpu: 0.0.44.dev20260713+nightly
codegen_flags: <defaults>
</compile_context>

<pallas_src>
import functools

import jax
import jax.numpy as jnp
from jax import lax
from jax.experimental import pallas as pl
from jax.experimental.pallas import tpu as pltpu
from jax.experimental.pallas import tpu_sc as plsc

_B, _S, _D = 4, 2048, 1024
_P, _L, _K = 64, 8, 2

_TROWS = 1024
_SROWS = _S - _TROWS
_RBLK = 256
_NJ = _TROWS // _RBLK

_GRP = 8
_CW = _D // _GRP
_CH = 256
_NCH = _SROWS // _CH


def _sc_body(x_hbm, out_hbm, buf0, buf1, outv, sem0, sem1):
    wid = lax.axis_index("s") * 2 + lax.axis_index("c")
    seg = wid // _GRP
    w = wid % _GRP
    row0 = seg * _S + _TROWS
    col0 = w * _CW

    bufs = (buf0, buf1)
    sems = (sem0, sem1)
    pending = pltpu.async_copy(
        x_hbm.at[pl.ds(row0, _CH), pl.ds(col0, _CW)], buf0, sem0)
    acc = tuple(jnp.zeros((16,), jnp.float32) for _ in range(_CW // 16))
    for ci in range(_NCH):
        nxt = None
        if ci + 1 < _NCH:
            nxt = pltpu.async_copy(
                x_hbm.at[pl.ds(row0 + (ci + 1) * _CH, _CH),
                         pl.ds(col0, _CW)],
                bufs[(ci + 1) % 2], sems[(ci + 1) % 2])
        pending.wait()
        buf = bufs[ci % 2]

        def body(r, a):
            return tuple(a[c] + buf[r, pl.ds(c * 16, 16)]
                         for c in range(_CW // 16))

        acc = lax.fori_loop(0, _CH, body, acc)
        pending = nxt
    for c in range(_CW // 16):
        outv[0, pl.ds(c * 16, 16)] = acc[c]
    pltpu.sync_copy(outv, out_hbm.at[pl.ds(seg, 1), pl.ds(col0, _CW)])


_sc_partial = functools.partial(
    pl.kernel,
    out_type=jax.ShapeDtypeStruct((_B, _D), jnp.float32),
    mesh=plsc.VectorSubcoreMesh(core_axis_name="c", subcore_axis_name="s"),
    scratch_types=[
        pltpu.VMEM((_CH, _CW), jnp.float32),
        pltpu.VMEM((_CH, _CW), jnp.float32),
        pltpu.VMEM((1, _CW), jnp.float32),
        pltpu.SemaphoreType.DMA,
        pltpu.SemaphoreType.DMA,
    ],
)(_sc_body)


def _tc1_body(x_ref, out_ref, acc_ref):
    b = pl.program_id(0)
    j = pl.program_id(1)

    @pl.when((b == 0) & (j == 0))
    def _init():
        acc_ref[...] = jnp.zeros_like(acc_ref)

    partial = jnp.sum(x_ref[...], axis=0, keepdims=True)
    rowid = lax.broadcasted_iota(jnp.int32, (8, _D), 0)
    acc_ref[...] += jnp.where(rowid == b, partial, 0.0)

    @pl.when((b == _B - 1) & (j == _NJ - 1))
    def _out():
        out_ref[...] = acc_ref[...]


def _tc2_body(ptc_ref, psc_ref, keys_ref, prompts_ref,
              sim_ref, sep_ref, vals_ref, bp_ref):
    xm = (ptc_ref[0:_B, :] + psc_ref[...]) * (1.0 / _S)
    xn = xm * lax.rsqrt(
        jnp.maximum(jnp.sum(xm * xm, axis=1, keepdims=True), 1e-12))
    k = keys_ref[...]
    kn = k * lax.rsqrt(
        jnp.maximum(jnp.sum(k * k, axis=1, keepdims=True), 1e-12))
    sim = lax.dot_general(xn, kn, (((1,), (1,)), ((), ())),
                          preferred_element_type=jnp.float32)
    sim_ref[...] = sim
    gram = lax.dot_general(kn, kn, (((1,), (1,)), ((), ())),
                           preferred_element_type=jnp.float32)
    r = lax.broadcasted_iota(jnp.int32, (_P, _P), 0)
    c = lax.broadcasted_iota(jnp.int32, (_P, _P), 1)
    diff = gram - (r == c).astype(jnp.float32)
    sep_ref[...] = (jnp.sum(diff * diff) * (1.0 / (_P * _P))).reshape(1, 1)

    col = lax.broadcasted_iota(jnp.int32, (_B, _P), 1)
    v1 = jnp.max(sim, axis=1, keepdims=True)
    i1 = jnp.min(jnp.where(sim == v1, col, _P), axis=1, keepdims=True)
    masked = jnp.where(col == i1, -jnp.inf, sim)
    v2 = jnp.max(masked, axis=1, keepdims=True)
    i2 = jnp.min(jnp.where(masked == v2, col, _P), axis=1, keepdims=True)
    vals_ref[...] = jnp.concatenate([v1, v2], axis=1)

    for bb in range(_B):
        for kk in range(_K):
            idx = (i1 if kk == 0 else i2)[bb, 0]
            bp_ref[bb, kk * _L:(kk + 1) * _L, :] = prompts_ref[idx]


def kernel(x_embed, prompt_keys, prompts, layer_idx):
    x_flat = x_embed.reshape(_B * _S, _D)

    psc = _sc_partial(x_flat)

    ptc = pl.pallas_call(
        _tc1_body,
        grid=(_B, _NJ),
        in_specs=[
            pl.BlockSpec((_RBLK, _D),
                         lambda b, j: (b * (_S // _RBLK) + j, 0)),
        ],
        out_specs=pl.BlockSpec((8, _D), lambda b, j: (0, 0)),
        out_shape=jax.ShapeDtypeStruct((8, _D), jnp.float32),
        scratch_shapes=[pltpu.VMEM((8, _D), jnp.float32)],
        compiler_params=pltpu.CompilerParams(
            dimension_semantics=("arbitrary", "arbitrary")),
    )(x_flat)

    sim, sep, vals, bp = pl.pallas_call(
        _tc2_body,
        out_shape=[
            jax.ShapeDtypeStruct((_B, _P), jnp.float32),
            jax.ShapeDtypeStruct((1, 1), jnp.float32),
            jax.ShapeDtypeStruct((_B, _K), jnp.float32),
            jax.ShapeDtypeStruct((_B, _K * _L, _D), jnp.float32),
        ],
    )(ptc, psc, prompt_keys, prompts)

    orth = jnp.zeros((), jnp.float32)
    return (sim, orth, sep.reshape(()), vals, bp)

# --- scband reference (transcript-rebuilt; emitter-appended) ---
"""Pipeline reference for scband-mix-prompt-16930761081179 (READ-ONLY COPY).

The authoritative reference and input builder live on the scoring server;
editing this copy changes nothing except your own understanding.
"""

import jax, jax.numpy as jnp
import numpy as np

B, S, D = 4, 2048, 1024
P = 64          # pool_size (prompts per layer)
L = 8           # prompt length
TOP_K = 2

def setup_inputs(seed: int = 0) -> dict:
    key = jax.random.key(seed)
    k1, k2, k3 = jax.random.split(key, 3)
    x_embed = jax.random.normal(k1, (B, S, D), dtype=jnp.float32)
    # learned params: per-prompt key (1,D) each -> concatenated [P, D]; prompt tokens [P, L, D]
    prompt_keys = jax.random.uniform(k2, (P, D), minval=-1.0, maxval=1.0, dtype=jnp.float32)
    prompts = jax.random.uniform(k3, (P, L, D), minval=-1.0, maxval=1.0, dtype=jnp.float32)
    return {"x_embed": x_embed, "prompt_keys": prompt_keys, "prompts": prompts, "layer_idx": 0}

def _l2_normalize(x, axis, epsilon=1e-12):
    square_sum = jnp.sum(x ** 2, axis=axis, keepdims=True)
    x_inv_norm = jax.lax.rsqrt(jnp.maximum(square_sum, epsilon))
    return x * x_inv_norm

def reference(x_embed, prompt_keys, prompts, layer_idx):
    # embedding_key == 'mean'
    x_embed_mean = jnp.mean(x_embed, axis=1)                      # [B, D]
    prompt_key_norm = _l2_normalize(prompt_keys, axis=1)          # [P, D]
    x_embed_norm = _l2_normalize(x_embed_mean, axis=1)            # [B, D]
    similarity = jnp.matmul(x_embed_norm, prompt_key_norm.T)      # [B, P]
    # old_count == P (init_train_prompt_pool sets old_prompt_counts to pool size)
    new_old_orthogonal_loss = jnp.asarray(0.0, dtype=jnp.float32)
    gram_matrix = jnp.matmul(prompt_key_norm, prompt_key_norm.T)  # [P, P]
    identity = jnp.eye(P, dtype=gram_matrix.dtype)
    separation_loss = jnp.mean((gram_matrix - identity) ** 2)
    topk_values, topk_idx = jax.lax.top_k(similarity, TOP_K)      # [B, K]
    # gather selected prompts (batchwise_prompt=False): [B, K, L, D] -> [B, K*L, D]
    batched_prompt = jnp.take(prompts, topk_idx, axis=0)
    batched_prompt = batched_prompt.reshape(B, TOP_K * L, D)
    return (similarity, new_old_orthogonal_loss, separation_loss, topk_values, batched_prompt)

if __name__ == "__main__":
    import jax
    _d = setup_inputs()
    print(jax.jit(kernel)(*tuple(_d.values())))

</pallas_src>

<mosaic_0001>
#map = affine_map<(d0, d1) -> (0, 0)>
module attributes {stable_mosaic.version = 14 : i64} {
  func.func @_sc_body(%arg0: i32, %arg1: i32, %arg2: memref<8192x1024xf32, #tpu.memory_space<hbm>>, %arg3: memref<4x1024xf32, #tpu.memory_space<hbm>>, %arg4: memref<256x128xf32, #tpu.memory_space<vmem>>, %arg5: memref<256x128xf32, #tpu.memory_space<vmem>>, %arg6: memref<1x128xf32, #tpu.memory_space<vmem>>, %arg7: memref<!tpu.dma_semaphore, #tpu.memory_space<semaphore_mem>>, %arg8: memref<!tpu.dma_semaphore, #tpu.memory_space<semaphore_mem>>) attributes {dimension_semantics = [#tpu.dimension_semantics<core_parallel>, #tpu.dimension_semantics<subcore_parallel>], iteration_bounds = array<i64: 2, 16>, scalar_prefetch = 0 : i64, scratch_operands = 5 : i64, tpu.core_type = #tpu.core_type<sc_vector_subcore>, window_params = [{transform_indices = #map}, {transform_indices = #map}]} {
    %mul3A = arith.constant 2 : i32
    %mul3A_0 = arith.muli %arg1, %mul3A : i32
    %add3A = arith.addi %mul3A_0, %arg0 : i32
    %jit3A = arith.constant 8 : i32
    %div3A = arith.divsi %add3A, %jit3A : i32
    %sign3A = arith.constant 0 : i32
    %sign3A_1 = arith.cmpi sgt, %add3A, %sign3A : i32
    %sign3A_2 = arith.extui %sign3A_1 : i1 to i32
    %sign3A_3 = arith.constant 0 : i32
    %sign3A_4 = arith.cmpi slt, %add3A, %sign3A_3 : i32
    %sign3A_5 = arith.extui %sign3A_4 : i1 to i32
    %sign3A_6 = arith.subi %sign3A_2, %sign3A_5 : i32
    %sign3A_7 = arith.constant 0 : i32
    %sign3A_8 = arith.cmpi sgt, %jit3A, %sign3A_7 : i32
    %sign3A_9 = arith.extui %sign3A_8 : i1 to i32
    %sign3A_10 = arith.constant 0 : i32
    %sign3A_11 = arith.cmpi slt, %jit3A, %sign3A_10 : i32
    %sign3A_12 = arith.extui %sign3A_11 : i1 to i32
    %sign3A_13 = arith.subi %sign3A_9, %sign3A_12 : i32
    %ne3A = arith.cmpi ne, %sign3A_6, %sign3A_13 : i32
    %rem3A = arith.remsi %add3A, %jit3A : i32
    %ne3A_14 = arith.constant 0 : i32
    %ne3A_15 = arith.cmpi ne, %rem3A, %ne3A_14 : i32
    %and3A = arith.andi %ne3A, %ne3A_15 : i1
    %sub3A = arith.constant 1 : i32
    %sub3A_16 = arith.subi %div3A, %sub3A : i32
    %select_n3A = arith.select %and3A, %sub3A_16, %div3A : i32
    %jit3A_17 = arith.constant 8 : i32
    %eq3A = arith.constant 0 : i32
    %eq3A_18 = arith.cmpi eq, %jit3A_17, %eq3A : i32
    %jit3A_19 = arith.constant 1 : i32
    %select_n3A_20 = arith.select %eq3A_18, %jit3A_19, %jit3A_17 : i32
    %rem3A_21 = arith.remsi %add3A, %select_n3A_20 : i32
    %ne3A_22 = arith.constant 0 : i32
    %ne3A_23 = arith.cmpi ne, %rem3A_21, %ne3A_22 : i32
    %lt3A = arith.constant 0 : i32
    %lt3A_24 = arith.cmpi slt, %rem3A_21, %lt3A : i32
    %lt3A_25 = arith.constant 0 : i32
    %lt3A_26 = arith.cmpi slt, %select_n3A_20, %lt3A_25 : i32
    %ne3A_27 = arith.xori %lt3A_24, %lt3A_26 : i1
    %and3A_28 = arith.andi %ne3A_27, %ne3A_23 : i1
    %add3A_29 = arith.addi %rem3A_21, %select_n3A_20 : i32
    %select_n3A_30 = arith.select %and3A_28, %add3A_29, %rem3A_21 : i32
    %mul3A_31 = arith.constant 2048 : i32
    %mul3A_32 = arith.muli %select_n3A, %mul3A_31 : i32
    %add3A_33 = arith.constant 1024 : i32
    %add3A_34 = arith.addi %mul3A_32, %add3A_33 : i32
    %mul3A_35 = arith.constant 128 : i32
    %mul3A_36 = arith.muli %select_n3A_30, %mul3A_35 : i32
    %dma_start3A = tpu.memref_slice %arg2[%add3A_34, %mul3A_36] : memref<8192x1024xf32, #tpu.memory_space<hbm>> -> memref<256x128xf32, #tpu.memory_space<hbm>>
    %dma_start3A_37 = tpu.memref_slice %arg2[%add3A_34, %mul3A_36] : memref<8192x1024xf32, #tpu.memory_space<hbm>> -> memref<256x128xf32, #tpu.memory_space<hbm>>
    tpu.enqueue_dma source(%dma_start3A_37 : memref<256x128xf32, #tpu.memory_space<hbm>>) target(%arg4 : memref<256x128xf32, #tpu.memory_space<vmem>>) target_semaphore(%arg7 : memref<!tpu.dma_semaphore, #tpu.memory_space<semaphore_mem>>)
    %broadcast_in_dim3A = arith.constant 0.000000e+00 : f32
    %broadcast_in_dim3A_38 = vector.broadcast %broadcast_in_dim3A : f32 to vector<16xf32>
    %broadcast_in_dim3A_39 = arith.constant 0.000000e+00 : f32
    %broadcast_in_dim3A_40 = vector.broadcast %broadcast_in_dim3A_39 : f32 to vector<16xf32>
    %broadcast_in_dim3A_41 = arith.constant 0.000000e+00 : f32
    %broadcast_in_dim3A_42 = vector.broadcast %broadcast_in_dim3A_41 : f32 to vector<16xf32>
    %broadcast_in_dim3A_43 = arith.constant 0.000000e+00 : f32
    %broadcast_in_dim3A_44 = vector.broadcast %broadcast_in_dim3A_43 : f32 to vector<16xf32>
    %broadcast_in_dim3A_45 = arith.constant 0.000000e+00 : f32
    %broadcast_in_dim3A_46 = vector.broadcast %broadcast_in_dim3A_45 : f32 to vector<16xf32>
    %broadcast_in_dim3A_47 = arith.constant 0.000000e+00 : f32
    %broadcast_in_dim3A_48 = vector.broadcast %broadcast_in_dim3A_47 : f32 to vector<16xf32>
    %broadcast_in_dim3A_49 = arith.constant 0.000000e+00 : f32
    %broadcast_in_dim3A_50 = vector.broadcast %broadcast_in_dim3A_49 : f32 to vector<16xf32>
    %broadcast_in_dim3A_51 = arith.constant 0.000000e+00 : f32
    %broadcast_in_dim3A_52 = vector.broadcast %broadcast_in_dim3A_51 : f32 to vector<16xf32>
    %add3A_53 = arith.constant 256 : i32
    %add3A_54 = arith.addi %add3A_34, %add3A_53 : i32
    %dma_start3A_55 = tpu.memref_slice %arg2[%add3A_54, %mul3A_36] : memref<8192x1024xf32, #tpu.memory_space<hbm>> -> memref<256x128xf32, #tpu.memory_space<hbm>>
    %dma_start3A_56 = tpu.memref_slice %arg2[%add3A_54, %mul3A_36] : memref<8192x1024xf32, #tpu.memory_space<hbm>> -> memref<256x128xf32, #tpu.memory_space<hbm>>
    tpu.enqueue_dma source(%dma_start3A_56 : memref<256x128xf32, #tpu.memory_space<hbm>>) target(%arg5 : memref<256x128xf32, #tpu.memory_space<vmem>>) target_semaphore(%arg8 : memref<!tpu.dma_semaphore, #tpu.memory_space<semaphore_mem>>)
    %dma_wait3A = tpu.memref_slice %arg2[%add3A_34, %mul3A_36] : memref<8192x1024xf32, #tpu.memory_space<hbm>> -> memref<256x128xf32, #tpu.memory_space<hbm>>
    %dma_wait3A_57 = tpu.memref_slice %arg2[%add3A_34, %mul3A_36] : memref<8192x1024xf32, #tpu.memory_space<hbm>> -> memref<256x128xf32, #tpu.memory_space<hbm>>
    tpu.wait_dma2 semaphore(%arg7 : memref<!tpu.dma_semaphore, #tpu.memory_space<semaphore_mem>>) src(%dma_wait3A_57 : memref<256x128xf32, #tpu.memory_space<hbm>>) dst(%arg4 : memref<256x128xf32, #tpu.memory_space<vmem>>)
    %scan3A = arith.constant 0 : i32
    %scan3A_58 = arith.constant 256 : i32
    %scan3A_59 = arith.addi %scan3A, %scan3A_58 : i32
    %scan3A_60 = arith.constant 1 : i32
    %scan3A_61:8 = scf.for %scan3A_142 = %scan3A to %scan3A_59 step %scan3A_60 iter_args(%scan3A_143 = %broadcast_in_dim3A_38, %scan3A_144 = %broadcast_in_dim3A_40, %scan3A_145 = %broadcast_in_dim3A_42, %scan3A_146 = %broadcast_in_dim3A_44, %scan3A_147 = %broadcast_in_dim3A_46, %scan3A_148 = %broadcast_in_dim3A_48, %scan3A_149 = %broadcast_in_dim3A_50, %scan3A_150 = %broadcast_in_dim3A_52) -> (vector<16xf32>, vector<16xf32>, vector<16xf32>, vector<16xf32>, vector<16xf32>, vector<16xf32>, vector<16xf32>, vector<16xf32>)  : i32 {
      %get3A = arith.index_cast %scan3A_142 : i32 to index
      %get3A_151 = arith.constant 0 : index
      %get3A_152 = tpu.vector_load %arg4[%get3A, %get3A_151] {strides = array<i32>} : memref<256x128xf32, #tpu.memory_space<vmem>>, vector<1x16xf32>,
      %get3A_153 = vector.shape_cast %get3A_152 : vector<1x16xf32> to vector<16xf32>
      %add3A_154 = arith.addf %scan3A_143, %get3A_153 : vector<16xf32>
      %get3A_155 = arith.index_cast %scan3A_142 : i32 to index
      %get3A_156 = arith.constant 16 : index
      %get3A_157 = tpu.vector_load %arg4[%get3A_155, %get3A_156] {strides = array<i32>} : memref<256x128xf32, #tpu.memory_space<vmem>>, vector<1x16xf32>,
      %get3A_158 = vector.shape_cast %get3A_157 : vector<1x16xf32> to vector<16xf32>
      %add3A_159 = arith.addf %scan3A_144, %get3A_158 : vector<16xf32>
      %get3A_160 = arith.index_cast %scan3A_142 : i32 to index
      %get3A_161 = arith.constant 32 : index
      %get3A_162 = tpu.vector_load %arg4[%get3A_160, %get3A_161] {strides = array<i32>} : memref<256x128xf32, #tpu.memory_space<vmem>>, vector<1x16xf32>,
      %get3A_163 = vector.shape_cast %get3A_162 : vector<1x16xf32> to vector<16xf32>
      %add3A_164 = arith.addf %scan3A_145, %get3A_163 : vector<16xf32>
      %get3A_165 = arith.index_cast %scan3A_142 : i32 to index
      %get3A_166 = arith.constant 48 : index
      %get3A_167 = tpu.vector_load %arg4[%get3A_165, %get3A_166] {strides = array<i32>} : memref<256x128xf32, #tpu.memory_space<vmem>>, vector<1x16xf32>,
      %get3A_168 = vector.shape_cast %get3A_167 : vector<1x16xf32> to vector<16xf32>
      %add3A_169 = arith.addf %scan3A_146, %get3A_168 : vector<16xf32>
      %get3A_170 = arith.index_cast %scan3A_142 : i32 to index
      %get3A_171 = arith.constant 64 : index
      %get3A_172 = tpu.vector_load %arg4[%get3A_170, %get3A_171] {strides = array<i32>} : memref<256x128xf32, #tpu.memory_space<vmem>>, vector<1x16xf32>,
      %get3A_173 = vector.shape_cast %get3A_172 : vector<1x16xf32> to vector<16xf32>
      %add3A_174 = arith.addf %scan3A_147, %get3A_173 : vector<16xf32>
      %get3A_175 = arith.index_cast %scan3A_142 : i32 to index
      %get3A_176 = arith.constant 80 : index
      %get3A_177 = tpu.vector_load %arg4[%get3A_175, %get3A_176] {strides = array<i32>} : memref<256x128xf32, #tpu.memory_space<vmem>>, vector<1x16xf32>,
      %get3A_178 = vector.shape_cast %get3A_177 : vector<1x16xf32> to vector<16xf32>
      %add3A_179 = arith.addf %scan3A_148, %get3A_178 : vector<16xf32>
      %get3A_180 = arith.index_cast %scan3A_142 : i32 to index
      %get3A_181 = arith.constant 96 : index
      %get3A_182 = tpu.vector_load %arg4[%get3A_180, %get3A_181] {strides = array<i32>} : memref<256x128xf32, #tpu.memory_space<vmem>>, vector<1x16xf32>,
      %get3A_183 = vector.shape_cast %get3A_182 : vector<1x16xf32> to vector<16xf32>
      %add3A_184 = arith.addf %scan3A_149, %get3A_183 : vector<16xf32>
      %get3A_185 = arith.index_cast %scan3A_142 : i32 to index
      %get3A_186 = arith.constant 112 : index
      %get3A_187 = tpu.vector_load %arg4[%get3A_185, %get3A_186] {strides = array<i32>} : memref<256x128xf32, #tpu.memory_space<vmem>>, vector<1x16xf32>,
      %get3A_188 = vector.shape_cast %get3A_187 : vector<1x16xf32> to vector<16xf32>
      %add3A_189 = arith.addf %scan3A_150, %get3A_188 : vector<16xf32>
      scf.yield %add3A_154, %add3A_159, %add3A_164, %add3A_169, %add3A_174, %add3A_179, %add3A_184, %add3A_189 : vector<16xf32>, vector<16xf32>, vector<16xf32>, vector<16xf32>, vector<16xf32>, vector<16xf32>, vector<16xf32>, vector<16xf32>
    }
    %scan3A_62 = arith.constant 256 : i32
    %add3A_63 = arith.constant 512 : i32
    %add3A_64 = arith.addi %add3A_34, %add3A_63 : i32
    %dma_start3A_65 = tpu.memref_slice %arg2[%add3A_64, %mul3A_36] : memref<8192x1024xf32, #tpu.memory_space<hbm>> -> memref<256x128xf32, #tpu.memory_space<hbm>>
    %dma_start3A_66 = tpu.memref_slice %arg2[%add3A_64, %mul3A_36] : memref<8192x1024xf32, #tpu.memory_space<hbm>> -> memref<256x128xf32, #tpu.memory_space<hbm>>
    tpu.enqueue_dma source(%dma_start3A_66 : memref<256x128xf32, #tpu.memory_space<hbm>>) target(%arg4 : memref<256x128xf32, #tpu.memory_space<vmem>>) target_semaphore(%arg7 : memref<!tpu.dma_semaphore, #tpu.memory_space<semaphore_mem>>)
    %dma_wait3A_67 = tpu.memref_slice %arg2[%add3A_54, %mul3A_36] : memref<8192x1024xf32, #tpu.memory_space<hbm>> -> memref<256x128xf32, #tpu.memory_space<hbm>>
    %dma_wait3A_68 = tpu.memref_slice %arg2[%add3A_54, %mul3A_36] : memref<8192x1024xf32, #tpu.memory_space<hbm>> -> memref<256x128xf32, #tpu.memory_space<hbm>>
    tpu.wait_dma2 semaphore(%arg8 : memref<!tpu.dma_semaphore, #tpu.memory_space<semaphore_mem>>) src(%dma_wait3A_68 : memref<256x128xf32, #tpu.memory_space<hbm>>) dst(%arg5 : memref<256x128xf32, #tpu.memory_space<vmem>>)
    %scan3A_69 = arith.constant 0 : i32
    %scan3A_70 = arith.constant 256 : i32
    %scan3A_71 = arith.addi %scan3A_69, %scan3A_70 : i32
    %scan3A_72 = arith.constant 1 : i32
    %scan3A_73:8 = scf.for %scan3A_142 = %scan3A_69 to %scan3A_71 step %scan3A_72 iter_args(%scan3A_143 = %scan3A_61#0, %scan3A_144 = %scan3A_61#1, %scan3A_145 = %scan3A_61#2, %scan3A_146 = %scan3A_61#3, %scan3A_147 = %scan3A_61#4, %scan3A_148 = %scan3A_61#5, %scan3A_149 = %scan3A_61#6, %scan3A_150 = %scan3A_61#7) -> (vector<16xf32>, vector<16xf32>, vector<16xf32>, vector<16xf32>, vector<16xf32>, vector<16xf32>, vector<16xf32>, vector<16xf32>)  : i32 {
      %get3A = arith.index_cast %scan3A_142 : i32 to index
      %get3A_151 = arith.constant 0 : index
      %get3A_152 = tpu.vector_load %arg5[%get3A, %get3A_151] {strides = array<i32>} : memref<256x128xf32, #tpu.memory_space<vmem>>, vector<1x16xf32>,
      %get3A_153 = vector.shape_cast %get3A_152 : vector<1x16xf32> to vector<16xf32>
      %add3A_154 = arith.addf %scan3A_143, %get3A_153 : vector<16xf32>
      %get3A_155 = arith.index_cast %scan3A_142 : i32 to index
      %get3A_156 = arith.constant 16 : index
      %get3A_157 = tpu.vector_load %arg5[%get3A_155, %get3A_156] {strides = array<i32>} : memref<256x128xf32, #tpu.memory_space<vmem>>, vector<1x16xf32>,
      %get3A_158 = vector.shape_cast %get3A_157 : vector<1x16xf32> to vector<16xf32>
      %add3A_159 = arith.addf %scan3A_144, %get3A_158 : vector<16xf32>
      %get3A_160 = arith.index_cast %scan3A_142 : i32 to index
      %get3A_161 = arith.constant 32 : index
      %get3A_162 = tpu.vector_load %arg5[%get3A_160, %get3A_161] {strides = array<i32>} : memref<256x128xf32, #tpu.memory_space<vmem>>, vector<1x16xf32>,
      %get3A_163 = vector.shape_cast %get3A_162 : vector<1x16xf32> to vector<16xf32>
      %add3A_164 = arith.addf %scan3A_145, %get3A_163 : vector<16xf32>
      %get3A_165 = arith.index_cast %scan3A_142 : i32 to index
      %get3A_166 = arith.constant 48 : index
      %get3A_167 = tpu.vector_load %arg5[%get3A_165, %get3A_166] {strides = array<i32>} : memref<256x128xf32, #tpu.memory_space<vmem>>, vector<1x16xf32>,
      %get3A_168 = vector.shape_cast %get3A_167 : vector<1x16xf32> to vector<16xf32>
      %add3A_169 = arith.addf %scan3A_146, %get3A_168 : vector<16xf32>
      %get3A_170 = arith.index_cast %scan3A_142 : i32 to index
      %get3A_171 = arith.constant 64 : index
      %get3A_172 = tpu.vector_load %arg5[%get3A_170, %get3A_171] {strides = array<i32>} : memref<256x128xf32, #tpu.memory_space<vmem>>, vector<1x16xf32>,
      %get3A_173 = vector.shape_cast %get3A_172 : vector<1x16xf32> to vector<16xf32>
      %add3A_174 = arith.addf %scan3A_147, %get3A_173 : vector<16xf32>
      %get3A_175 = arith.index_cast %scan3A_142 : i32 to index
      %get3A_176 = arith.constant 80 : index
      %get3A_177 = tpu.vector_load %arg5[%get3A_175, %get3A_176] {strides = array<i32>} : memref<256x128xf32, #tpu.memory_space<vmem>>, vector<1x16xf32>,
      %get3A_178 = vector.shape_cast %get3A_177 : vector<1x16xf32> to vector<16xf32>
      %add3A_179 = arith.addf %scan3A_148, %get3A_178 : vector<16xf32>
      %get3A_180 = arith.index_cast %scan3A_142 : i32 to index
      %get3A_181 = arith.constant 96 : index
      %get3A_182 = tpu.vector_load %arg5[%get3A_180, %get3A_181] {strides = array<i32>} : memref<256x128xf32, #tpu.memory_space<vmem>>, vector<1x16xf32>,
      %get3A_183 = vector.shape_cast %get3A_182 : vector<1x16xf32> to vector<16xf32>
      %add3A_184 = arith.addf %scan3A_149, %get3A_183 : vector<16xf32>
      %get3A_185 = arith.index_cast %scan3A_142 : i32 to index
      %get3A_186 = arith.constant 112 : index
      %get3A_187 = tpu.vector_load %arg5[%get3A_185, %get3A_186] {strides = array<i32>} : memref<256x128xf32, #tpu.memory_space<vmem>>, vector<1x16xf32>,
      %get3A_188 = vector.shape_cast %get3A_187 : vector<1x16xf32> to vector<16xf32>
      %add3A_189 = arith.addf %scan3A_150, %get3A_188 : vector<16xf32>
      scf.yield %add3A_154, %add3A_159, %add3A_164, %add3A_169, %add3A_174, %add3A_179, %add3A_184, %add3A_189 : vector<16xf32>, vector<16xf32>, vector<16xf32>, vector<16xf32>, vector<16xf32>, vector<16xf32>, vector<16xf32>, vector<16xf32>
    }
    %scan3A_74 = arith.constant 256 : i32
    %add3A_75 = arith.constant 768 : i32
    %add3A_76 = arith.addi %add3A_34, %add3A_75 : i32
    %dma_start3A_77 = tpu.memref_slice %arg2[%add3A_76, %mul3A_36] : memref<8192x1024xf32, #tpu.memory_space<hbm>> -> memref<256x128xf32, #tpu.memory_space<hbm>>
    %dma_start3A_78 = tpu.memref_slice %arg2[%add3A_76, %mul3A_36] : memref<8192x1024xf32, #tpu.memory_space<hbm>> -> memref<256x128xf32, #tpu.memory_space<hbm>>
    tpu.enqueue_dma source(%dma_start3A_78 : memref<256x128xf32, #tpu.memory_space<hbm>>) target(%arg5 : memref<256x128xf32, #tpu.memory_space<vmem>>) target_semaphore(%arg8 : memref<!tpu.dma_semaphore, #tpu.memory_space<semaphore_mem>>)
    %dma_wait3A_79 = tpu.memref_slice %arg2[%add3A_64, %mul3A_36] : memref<8192x1024xf32, #tpu.memory_space<hbm>> -> memref<256x128xf32, #tpu.memory_space<hbm>>
    %dma_wait3A_80 = tpu.memref_slice %arg2[%add3A_64, %mul3A_36] : memref<8192x1024xf32, #tpu.memory_space<hbm>> -> memref<256x128xf32, #tpu.memory_space<hbm>>
    tpu.wait_dma2 semaphore(%arg7 : memref<!tpu.dma_semaphore, #tpu.memory_space<semaphore_mem>>) src(%dma_wait3A_80 : memref<256x128xf32, #tpu.memory_space<hbm>>) dst(%arg4 : memref<256x128xf32, #tpu.memory_space<vmem>>)
    %scan3A_81 = arith.constant 0 : i32
    %scan3A_82 = arith.constant 256 : i32
    %scan3A_83 = arith.addi %scan3A_81, %scan3A_82 : i32
    %scan3A_84 = arith.constant 1 : i32
    %scan3A_85:8 = scf.for %scan3A_142 = %scan3A_81 to %scan3A_83 step %scan3A_84 iter_args(%scan3A_143 = %scan3A_73#0, %scan3A_144 = %scan3A_73#1, %scan3A_145 = %scan3A_73#2, %scan3A_146 = %scan3A_73#3, %scan3A_147 = %scan3A_73#4, %scan3A_148 = %scan3A_73#5, %scan3A_149 = %scan3A_73#6, %scan3A_150 = %scan3A_73#7) -> (vector<16xf32>, vector<16xf32>, vector<16xf32>, vector<16xf32>, vector<16xf32>, vector<16xf32>, vector<16xf32>, vector<16xf32>)  : i32 {
      %get3A = arith.index_cast %scan3A_142 : i32 to index
      %get3A_151 = arith.constant 0 : index
      %get3A_152 = tpu.vector_load %arg4[%get3A, %get3A_151] {strides = array<i32>} : memref<256x128xf32, #tpu.memory_space<vmem>>, vector<1x16xf32>,
      %get3A_153 = vector.shape_cast %get3A_152 : vector<1x16xf32> to vector<16xf32>
      %add3A_154 = arith.addf %scan3A_143, %get3A_153 : vector<16xf32>
      %get3A_155 = arith.index_cast %scan3A_142 : i32 to index
      %get3A_156 = arith.constant 16 : index
      %get3A_157 = tpu.vector_load %arg4[%get3A_155, %get3A_156] {strides = array<i32>} : memref<256x128xf32, #tpu.memory_space<vmem>>, vector<1x16xf32>,
      %get3A_158 = vector.shape_cast %get3A_157 : vector<1x16xf32> to vector<16xf32>
      %add3A_159 = arith.addf %scan3A_144, %get3A_158 : vector<16xf32>
      %get3A_160 = arith.index_cast %scan3A_142 : i32 to index
      %get3A_161 = arith.constant 32 : index
      %get3A_162 = tpu.vector_load %arg4[%get3A_160, %get3A_161] {strides = array<i32>} : memref<256x128xf32, #tpu.memory_space<vmem>>, vector<1x16xf32>,
      %get3A_163 = vector.shape_cast %get3A_162 : vector<1x16xf32> to vector<16xf32>
      %add3A_164 = arith.addf %scan3A_145, %get3A_163 : vector<16xf32>
      %get3A_165 = arith.index_cast %scan3A_142 : i32 to index
      %get3A_166 = arith.constant 48 : index
      %get3A_167 = tpu.vector_load %arg4[%get3A_165, %get3A_166] {strides = array<i32>} : memref<256x128xf32, #tpu.memory_space<vmem>>, vector<1x16xf32>,
      %get3A_168 = vector.shape_cast %get3A_167 : vector<1x16xf32> to vector<16xf32>
      %add3A_169 = arith.addf %scan3A_146, %get3A_168 : vector<16xf32>
      %get3A_170 = arith.index_cast %scan3A_142 : i32 to index
      %get3A_171 = arith.constant 64 : index
      %get3A_172 = tpu.vector_load %arg4[%get3A_170, %get3A_171] {strides = array<i32>} : memref<256x128xf32, #tpu.memory_space<vmem>>, vector<1x16xf32>,
      %get3A_173 = vector.shape_cast %get3A_172 : vector<1x16xf32> to vector<16xf32>
      %add3A_174 = arith.addf %scan3A_147, %get3A_173 : vector<16xf32>
      %get3A_175 = arith.index_cast %scan3A_142 : i32 to index
      %get3A_176 = arith.constant 80 : index
      %get3A_177 = tpu.vector_load %arg4[%get3A_175, %get3A_176] {strides = array<i32>} : memref<256x128xf32, #tpu.memory_space<vmem>>, vector<1x16xf32>,
      %get3A_178 = vector.shape_cast %get3A_177 : vector<1x16xf32> to vector<16xf32>
      %add3A_179 = arith.addf %scan3A_148, %get3A_178 : vector<16xf32>
      %get3A_180 = arith.index_cast %scan3A_142 : i32 to index
      %get3A_181 = arith.constant 96 : index
      %get3A_182 = tpu.vector_load %arg4[%get3A_180, %get3A_181] {strides = array<i32>} : memref<256x128xf32, #tpu.memory_space<vmem>>, vector<1x16xf32>,
      %get3A_183 = vector.shape_cast %get3A_182 : vector<1x16xf32> to vector<16xf32>
      %add3A_184 = arith.addf %scan3A_149, %get3A_183 : vector<16xf32>
      %get3A_185 = arith.index_cast %scan3A_142 : i32 to index
      %get3A_186 = arith.constant 112 : index
      %get3A_187 = tpu.vector_load %arg4[%get3A_185, %get3A_186] {strides = array<i32>} : memref<256x128xf32, #tpu.memory_space<vmem>>, vector<1x16xf32>,
      %get3A_188 = vector.shape_cast %get3A_187 : vector<1x16xf32> to vector<16xf32>
      %add3A_189 = arith.addf %scan3A_150, %get3A_188 : vector<16xf32>
      scf.yield %add3A_154, %add3A_159, %add3A_164, %add3A_169, %add3A_174, %add3A_179, %add3A_184, %add3A_189 : vector<16xf32>, vector<16xf32>, vector<16xf32>, vector<16xf32>, vector<16xf32>, vector<16xf32>, vector<16xf32>, vector<16xf32>
    }
    %scan3A_86 = arith.constant 256 : i32
    %dma_wait3A_87 = tpu.memref_slice %arg2[%add3A_76, %mul3A_36] : memref<8192x1024xf32, #tpu.memory_space<hbm>> -> memref<256x128xf32, #tpu.memory_space<hbm>>
    %dma_wait3A_88 = tpu.memref_slice %arg2[%add3A_76, %mul3A_36] : memref<8192x1024xf32, #tpu.memory_space<hbm>> -> memref<256x128xf32, #tpu.memory_space<hbm>>
    tpu.wait_dma2 semaphore(%arg8 : memref<!tpu.dma_semaphore, #tpu.memory_space<semaphore_mem>>) src(%dma_wait3A_88 : memref<256x128xf32, #tpu.memory_space<hbm>>) dst(%arg5 : memref<256x128xf32, #tpu.memory_space<vmem>>)
    %scan3A_89 = arith.constant 0 : i32
    %scan3A_90 = arith.constant 256 : i32
    %scan3A_91 = arith.addi %scan3A_89, %scan3A_90 : i32
    %scan3A_92 = arith.constant 1 : i32
    %scan3A_93:8 = scf.for %scan3A_142 = %scan3A_89 to %scan3A_91 step %scan3A_92 iter_args(%scan3A_143 = %scan3A_85#0, %scan3A_144 = %scan3A_85#1, %scan3A_145 = %scan3A_85#2, %scan3A_146 = %scan3A_85#3, %scan3A_147 = %scan3A_85#4, %scan3A_148 = %scan3A_85#5, %scan3A_149 = %scan3A_85#6, %scan3A_150 = %scan3A_85#7) -> (vector<16xf32>, vector<16xf32>, vector<16xf32>, vector<16xf32>, vector<16xf32>, vector<16xf32>, vector<16xf32>, vector<16xf32>)  : i32 {
      %get3A = arith.index_cast %scan3A_142 : i32 to index
      %get3A_151 = arith.constant 0 : index
      %get3A_152 = tpu.vector_load %arg5[%get3A, %get3A_151] {strides = array<i32>} : memref<256x128xf32, #tpu.memory_space<vmem>>, vector<1x16xf32>,
      %get3A_153 = vector.shape_cast %get3A_152 : vector<1x16xf32> to vector<16xf32>
      %add3A_154 = arith.addf %scan3A_143, %get3A_153 : vector<16xf32>
      %get3A_155 = arith.index_cast %scan3A_142 : i32 to index
      %get3A_156 = arith.constant 16 : index
      %get3A_157 = tpu.vector_load %arg5[%get3A_155, %get3A_156] {strides = array<i32>} : memref<256x128xf32, #tpu.memory_space<vmem>>, vector<1x16xf32>,
      %get3A_158 = vector.shape_cast %get3A_157 : vector<1x16xf32> to vector<16xf32>
      %add3A_159 = arith.addf %scan3A_144, %get3A_158 : vector<16xf32>
      %get3A_160 = arith.index_cast %scan3A_142 : i32 to index
      %get3A_161 = arith.constant 32 : index
      %get3A_162 = tpu.vector_load %arg5[%get3A_160, %get3A_161] {strides = array<i32>} : memref<256x128xf32, #tpu.memory_space<vmem>>, vector<1x16xf32>,
      %get3A_163 = vector.shape_cast %get3A_162 : vector<1x16xf32> to vector<16xf32>
      %add3A_164 = arith.addf %scan3A_145, %get3A_163 : vector<16xf32>
      %get3A_165 = arith.index_cast %scan3A_142 : i32 to index
      %get3A_166 = arith.constant 48 : index
      %get3A_167 = tpu.vector_load %arg5[%get3A_165, %get3A_166] {strides = array<i32>} : memref<256x128xf32, #tpu.memory_space<vmem>>, vector<1x16xf32>,
      %get3A_168 = vector.shape_cast %get3A_167 : vector<1x16xf32> to vector<16xf32>
      %add3A_169 = arith.addf %scan3A_146, %get3A_168 : vector<16xf32>
      %get3A_170 = arith.index_cast %scan3A_142 : i32 to index
      %get3A_171 = arith.constant 64 : index
      %get3A_172 = tpu.vector_load %arg5[%get3A_170, %get3A_171] {strides = array<i32>} : memref<256x128xf32, #tpu.memory_space<vmem>>, vector<1x16xf32>,
      %get3A_173 = vector.shape_cast %get3A_172 : vector<1x16xf32> to vector<16xf32>
      %add3A_174 = arith.addf %scan3A_147, %get3A_173 : vector<16xf32>
      %get3A_175 = arith.index_cast %scan3A_142 : i32 to index
      %get3A_176 = arith.constant 80 : index
      %get3A_177 = tpu.vector_load %arg5[%get3A_175, %get3A_176] {strides = array<i32>} : memref<256x128xf32, #tpu.memory_space<vmem>>, vector<1x16xf32>,
      %get3A_178 = vector.shape_cast %get3A_177 : vector<1x16xf32> to vector<16xf32>
      %add3A_179 = arith.addf %scan3A_148, %get3A_178 : vector<16xf32>
      %get3A_180 = arith.index_cast %scan3A_142 : i32 to index
      %get3A_181 = arith.constant 96 : index
      %get3A_182 = tpu.vector_load %arg5[%get3A_180, %get3A_181] {strides = array<i32>} : memref<256x128xf32, #tpu.memory_space<vmem>>, vector<1x16xf32>,
      %get3A_183 = vector.shape_cast %get3A_182 : vector<1x16xf32> to vector<16xf32>
      %add3A_184 = arith.addf %scan3A_149, %get3A_183 : vector<16xf32>
      %get3A_185 = arith.index_cast %scan3A_142 : i32 to index
      %get3A_186 = arith.constant 112 : index
      %get3A_187 = tpu.vector_load %arg5[%get3A_185, %get3A_186] {strides = array<i32>} : memref<256x128xf32, #tpu.memory_space<vmem>>, vector<1x16xf32>,
      %get3A_188 = vector.shape_cast %get3A_187 : vector<1x16xf32> to vector<16xf32>
      %add3A_189 = arith.addf %scan3A_150, %get3A_188 : vector<16xf32>
      scf.yield %add3A_154, %add3A_159, %add3A_164, %add3A_169, %add3A_174, %add3A_179, %add3A_184, %add3A_189 : vector<16xf32>, vector<16xf32>, vector<16xf32>, vector<16xf32>, vector<16xf32>, vector<16xf32>, vector<16xf32>, vector<16xf32>
    }
    %scan3A_94 = arith.constant 256 : i32
    %swap3A = arith.constant 0 : i32
    %swap3A_95 = arith.index_cast %swap3A : i32 to index
    %swap3A_96 = arith.constant 0 : index
    %swap3A_97 = tpu.vector_load %arg6[%swap3A_95, %swap3A_96] {strides = array<i32>} : memref<1x128xf32, #tpu.memory_space<vmem>>, vector<1x16xf32>,
    %swap3A_98 = vector.shape_cast %swap3A_97 : vector<1x16xf32> to vector<16xf32>
    %swap3A_99 = vector.shape_cast %scan3A_93#0 : vector<16xf32> to vector<1x16xf32>
    tpu.vector_store %arg6[%swap3A_95, %swap3A_96], %swap3A_99 {strides = array<i32>} : memref<1x128xf32, #tpu.memory_space<vmem>>, vector<1x16xf32>,
    %swap3A_100 = arith.constant 0 : i32
    %swap3A_101 = arith.index_cast %swap3A_100 : i32 to index
    %swap3A_102 = arith.constant 16 : index
    %swap3A_103 = tpu.vector_load %arg6[%swap3A_101, %swap3A_102] {strides = array<i32>} : memref<1x128xf32, #tpu.memory_space<vmem>>, vector<1x16xf32>,
    %swap3A_104 = vector.shape_cast %swap3A_103 : vector<1x16xf32> to vector<16xf32>
    %swap3A_105 = vector.shape_cast %scan3A_93#1 : vector<16xf32> to vector<1x16xf32>
    tpu.vector_store %arg6[%swap3A_101, %swap3A_102], %swap3A_105 {strides = array<i32>} : memref<1x128xf32, #tpu.memory_space<vmem>>, vector<1x16xf32>,
    %swap3A_106 = arith.constant 0 : i32
    %swap3A_107 = arith.index_cast %swap3A_106 : i32 to index
    %swap3A_108 = arith.constant 32 : index
    %swap3A_109 = tpu.vector_load %arg6[%swap3A_107, %swap3A_108] {strides = array<i32>} : memref<1x128xf32, #tpu.memory_space<vmem>>, vector<1x16xf32>,
    %swap3A_110 = vector.shape_cast %swap3A_109 : vector<1x16xf32> to vector<16xf32>
    %swap3A_111 = vector.shape_cast %scan3A_93#2 : vector<16xf32> to vector<1x16xf32>
    tpu.vector_store %arg6[%swap3A_107, %swap3A_108], %swap3A_111 {strides = array<i32>} : memref<1x128xf32, #tpu.memory_space<vmem>>, vector<1x16xf32>,
    %swap3A_112 = arith.constant 0 : i32
    %swap3A_113 = arith.index_cast %swap3A_112 : i32 to index
    %swap3A_114 = arith.constant 48 : index
    %swap3A_115 = tpu.vector_load %arg6[%swap3A_113, %swap3A_114] {strides = array<i32>} : memref<1x128xf32, #tpu.memory_space<vmem>>, vector<1x16xf32>,
    %swap3A_116 = vector.shape_cast %swap3A_115 : vector<1x16xf32> to vector<16xf32>
    %swap3A_117 = vector.shape_cast %scan3A_93#3 : vector<16xf32> to vector<1x16xf32>
    tpu.vector_store %arg6[%swap3A_113, %swap3A_114], %swap3A_117 {strides = array<i32>} : memref<1x128xf32, #tpu.memory_space<vmem>>, vector<1x16xf32>,
    %swap3A_118 = arith.constant 0 : i32
    %swap3A_119 = arith.index_cast %swap3A_118 : i32 to index
    %swap3A_120 = arith.constant 64 : index
    %swap3A_121 = tpu.vector_load %arg6[%swap3A_119, %swap3A_120] {strides = array<i32>} : memref<1x128xf32, #tpu.memory_space<vmem>>, vector<1x16xf32>,
    %swap3A_122 = vector.shape_cast %swap3A_121 : vector<1x16xf32> to vector<16xf32>
    %swap3A_123 = vector.shape_cast %scan3A_93#4 : vector<16xf32> to vector<1x16xf32>
    tpu.vector_store %arg6[%swap3A_119, %swap3A_120], %swap3A_123 {strides = array<i32>} : memref<1x128xf32, #tpu.memory_space<vmem>>, vector<1x16xf32>,
    %swap3A_124 = arith.constant 0 : i32
    %swap3A_125 = arith.index_cast %swap3A_124 : i32 to index
    %swap3A_126 = arith.constant 80 : index
    %swap3A_127 = tpu.vector_load %arg6[%swap3A_125, %swap3A_126] {strides = array<i32>} : memref<1x128xf32, #tpu.memory_space<vmem>>, vector<1x16xf32>,
    %swap3A_128 = vector.shape_cast %swap3A_127 : vector<1x16xf32> to vector<16xf32>
    %swap3A_129 = vector.shape_cast %scan3A_93#5 : vector<16xf32> to vector<1x16xf32>
    tpu.vector_store %arg6[%swap3A_125, %swap3A_126], %swap3A_129 {strides = array<i32>} : memref<1x128xf32, #tpu.memory_space<vmem>>, vector<1x16xf32>,
    %swap3A_130 = arith.constant 0 : i32
    %swap3A_131 = arith.index_cast %swap3A_130 : i32 to index
    %swap3A_132 = arith.constant 96 : index
    %swap3A_133 = tpu.vector_load %arg6[%swap3A_131, %swap3A_132] {strides = array<i32>} : memref<1x128xf32, #tpu.memory_space<vmem>>, vector<1x16xf32>,
    %swap3A_134 = vector.shape_cast %swap3A_133 : vector<1x16xf32> to vector<16xf32>
    %swap3A_135 = vector.shape_cast %scan3A_93#6 : vector<16xf32> to vector<1x16xf32>
    tpu.vector_store %arg6[%swap3A_131, %swap3A_132], %swap3A_135 {strides = array<i32>} : memref<1x128xf32, #tpu.memory_space<vmem>>, vector<1x16xf32>,
    %swap3A_136 = arith.constant 0 : i32
    %swap3A_137 = arith.index_cast %swap3A_136 : i32 to index
    %swap3A_138 = arith.constant 112 : index
    %swap3A_139 = tpu.vector_load %arg6[%swap3A_137, %swap3A_138] {strides = array<i32>} : memref<1x128xf32, #tpu.memory_space<vmem>>, vector<1x16xf32>,
    %swap3A_140 = vector.shape_cast %swap3A_139 : vector<1x16xf32> to vector<16xf32>
    %swap3A_141 = vector.shape_cast %scan3A_93#7 : vector<16xf32> to vector<1x16xf32>
    tpu.vector_store %arg6[%swap3A_137, %swap3A_138], %swap3A_141 {strides = array<i32>} : memref<1x128xf32, #tpu.memory_space<vmem>>, vector<1x16xf32>,
    "tpu.region"() ({
      %run_scoped3A = tpu.sem_alloc : memref<!tpu.dma_semaphore, #tpu.memory_space<semaphore_mem>>
      %dma_start3A_142 = tpu.memref_slice %arg3[%select_n3A, %mul3A_36] : memref<4x1024xf32, #tpu.memory_space<hbm>> -> memref<1x128xf32, #tpu.memory_space<hbm>>
      %dma_start3A_143 = tpu.memref_slice %arg3[%select_n3A, %mul3A_36] : memref<4x1024xf32, #tpu.memory_space<hbm>> -> memref<1x128xf32, #tpu.memory_space<hbm>>
      tpu.enqueue_dma source(%arg6 : memref<1x128xf32, #tpu.memory_space<vmem>>) target(%dma_start3A_143 : memref<1x128xf32, #tpu.memory_space<hbm>>) target_semaphore(%run_scoped3A : memref<!tpu.dma_semaphore, #tpu.memory_space<semaphore_mem>>)
      %dma_wait3A_144 = tpu.memref_slice %arg3[%select_n3A, %mul3A_36] : memref<4x1024xf32, #tpu.memory_space<hbm>> -> memref<1x128xf32, #tpu.memory_space<hbm>>
      %dma_wait3A_145 = tpu.memref_slice %arg3[%select_n3A, %mul3A_36] : memref<4x1024xf32, #tpu.memory_space<hbm>> -> memref<1x128xf32, #tpu.memory_space<hbm>>
      tpu.wait_dma2 semaphore(%run_scoped3A : memref<!tpu.dma_semaphore, #tpu.memory_space<semaphore_mem>>) src(%arg6 : memref<1x128xf32, #tpu.memory_space<vmem>>) dst(%dma_wait3A_145 : memref<1x128xf32, #tpu.memory_space<hbm>>)
      tpu.yield
    }) : () -> ()
    return
  }
}

module attributes {stable_mosaic.version = 14 : i64} {
  func.func @_tc1_body(%arg0: i32, %arg1: i32, %arg2: memref<256x1024xf32, #tpu.memory_space<vmem>>, %arg3: memref<8x1024xf32, #tpu.memory_space<vmem>>, %arg4: memref<8x1024xf32, #tpu.memory_space<vmem>>) attributes {dimension_semantics = [#tpu.dimension_semantics<arbitrary>, #tpu.dimension_semantics<arbitrary>], iteration_bounds = array<i64: 4, 4>, scalar_prefetch = 0 : i64, scratch_operands = 1 : i64, tpu.core_type = #tpu.core_type<tc>, window_params = [{transform_indices = @transform_0, window_bounds = array<i64: 256, 1024>}, {pipeline_mode = #tpu.pipeline_mode<synchronous>, transform_indices = @transform_1, window_bounds = array<i64: 8, 1024>}]} {
    %eq3A = arith.constant 0 : i32
    %eq3A_0 = arith.cmpi eq, %arg0, %eq3A : i32
    %eq3A_1 = arith.constant 0 : i32
    %eq3A_2 = arith.cmpi eq, %arg1, %eq3A_1 : i32
    %and3A = arith.andi %eq3A_0, %eq3A_2 : i1
    %convert_element_type3A = arith.extui %and3A : i1 to i32
    %cond3A = arith.constant 0 : i32
    %cond3A_3 = arith.cmpi ne, %convert_element_type3A, %cond3A : i32
    scf.if %cond3A_3 {
      %broadcast_in_dim3A_25 = arith.constant 0.000000e+00 : f32
      %broadcast_in_dim3A_26 = vector.broadcast %broadcast_in_dim3A_25 : f32 to vector<8x1024xf32>
      %swap3A_27 = arith.constant 0 : index
      %swap3A_28 = arith.constant 0 : index
      %swap3A_29 = vector.load %arg4[%swap3A_27, %swap3A_28] : memref<8x1024xf32, #tpu.memory_space<vmem>>, vector<8x1024xf32>
      tpu.vector_store %arg4[%swap3A_27, %swap3A_28], %broadcast_in_dim3A_26 {strides = array<i32>} : memref<8x1024xf32, #tpu.memory_space<vmem>>, vector<8x1024xf32>,
    } else {
    }
    %get3A = arith.constant 0 : index
    %get3A_4 = arith.constant 0 : index
    %get3A_5 = vector.load %arg2[%get3A, %get3A_4] : memref<256x1024xf32, #tpu.memory_space<vmem>>, vector<256x1024xf32>
    %reduce_sum3A = arith.constant dense<0.000000e+00> : vector<1024xf32>
    %reduce_sum3A_6 = vector.multi_reduction <add>, %get3A_5, %reduce_sum3A [0] : vector<256x1024xf32> to vector<1024xf32>
    %broadcast_in_dim3A = vector.shape_cast %reduce_sum3A_6 : vector<1024xf32> to vector<1x1024xf32>
    %iota3A = tpu.iota {dimensions = array<i32: 0>} : vector<8x1024xi32>
    %get3A_7 = arith.constant 0 : index
    %get3A_8 = arith.constant 0 : index
    %get3A_9 = vector.load %arg4[%get3A_7, %get3A_8] : memref<8x1024xf32, #tpu.memory_space<vmem>>, vector<8x1024xf32>
    %eq3A_10 = vector.broadcast %arg0 : i32 to vector<8x1024xi32>
    %eq3A_11 = arith.cmpi eq, %iota3A, %eq3A_10 : vector<8x1024xi32>
    %jit3A = arith.constant 0.000000e+00 : f32
    %broadcast_in_dim3A_12 = vector.shape_cast %broadcast_in_dim3A : vector<1x1024xf32> to vector<1x1024xf32>
    %broadcast_in_dim3A_13 = vector.broadcast %broadcast_in_dim3A_12 : vector<1x1024xf32> to vector<8x1024xf32>
    %broadcast_in_dim3A_14 = vector.broadcast %jit3A : f32 to vector<8x1024xf32>
    %select_n3A = arith.select %eq3A_11, %broadcast_in_dim3A_13, %broadcast_in_dim3A_14 : vector<8x1024xi1>, vector<8x1024xf32>
    %add3A = arith.addf %get3A_9, %select_n3A : vector<8x1024xf32>
    %swap3A = arith.constant 0 : index
    %swap3A_15 = arith.constant 0 : index
    %swap3A_16 = vector.load %arg4[%swap3A, %swap3A_15] : memref<8x1024xf32, #tpu.memory_space<vmem>>, vector<8x1024xf32>
    tpu.vector_store %arg4[%swap3A, %swap3A_15], %add3A {strides = array<i32>} : memref<8x1024xf32, #tpu.memory_space<vmem>>, vector<8x1024xf32>,
    %eq3A_17 = arith.constant 3 : i32
    %eq3A_18 = arith.cmpi eq, %arg0, %eq3A_17 : i32
    %eq3A_19 = arith.constant 3 : i32
    %eq3A_20 = arith.cmpi eq, %arg1, %eq3A_19 : i32
    %and3A_21 = arith.andi %eq3A_18, %eq3A_20 : i1
    %convert_element_type3A_22 = arith.extui %and3A_21 : i1 to i32
    %cond3A_23 = arith.constant 0 : i32
    %cond3A_24 = arith.cmpi ne, %convert_element_type3A_22, %cond3A_23 : i32
    scf.if %cond3A_24 {
      %get3A_25 = arith.constant 0 : index
      %get3A_26 = arith.constant 0 : index
      %get3A_27 = vector.load %arg4[%get3A_25, %get3A_26] : memref<8x1024xf32, #tpu.memory_space<vmem>>, vector<8x1024xf32>
      %swap3A_28 = arith.constant 0 : index
      %swap3A_29 = arith.constant 0 : index
      %swap3A_30 = vector.load %arg3[%swap3A_28, %swap3A_29] : memref<8x1024xf32, #tpu.memory_space<vmem>>, vector<8x1024xf32>
      tpu.vector_store %arg3[%swap3A_28, %swap3A_29], %get3A_27 {strides = array<i32>} : memref<8x1024xf32, #tpu.memory_space<vmem>>, vector<8x1024xf32>,
    } else {
    }
    return
  }
  func.func @transform_0(%arg0: i32, %arg1: i32) -> (i32, i32) {
    %mul3A = arith.constant 8 : i32
    %mul3A_0 = arith.muli %arg0, %mul3A : i32
    %add3A = arith.addi %mul3A_0, %arg1 : i32
    %c0_i32 = arith.constant 0 : i32
    %c0_i32_1 = arith.constant 0 : i32
    return %add3A, %c0_i32 : i32, i32
  }
  func.func @transform_1(%arg0: i32, %arg1: i32) -> (i32, i32) {
    %c0_i32 = arith.constant 0 : i32
    %c0_i32_0 = arith.constant 0 : i32
    %c0_i32_1 = arith.constant 0 : i32
    return %c0_i32, %c0_i32_0 : i32, i32
  }
}

module attributes {stable_mosaic.version = 14 : i64} {
  func.func @_tc2_body(%arg0: memref<8x1024xf32, #tpu.memory_space<vmem>>, %arg1: memref<4x1024xf32, #tpu.memory_space<vmem>>, %arg2: memref<64x1024xf32, #tpu.memory_space<vmem>>, %arg3: memref<64x8x1024xf32, #tpu.memory_space<vmem>>, %arg4: memref<4x64xf32, #tpu.memory_space<vmem>>, %arg5: memref<1x1xf32, #tpu.memory_space<vmem>>, %arg6: memref<4x2xf32, #tpu.memory_space<vmem>>, %arg7: memref<4x16x1024xf32, #tpu.memory_space<vmem>>) attributes {dimension_semantics = [], scalar_prefetch = 0 : i64, scratch_operands = 0 : i64, tpu.core_type = #tpu.core_type<tc>} {
    %get3A = arith.constant 0 : index
    %get3A_0 = arith.constant 0 : index
    %get3A_1 = vector.load %arg0[%get3A, %get3A_0] : memref<8x1024xf32, #tpu.memory_space<vmem>>, vector<4x1024xf32>
    %get3A_2 = arith.constant 0 : index
    %get3A_3 = arith.constant 0 : index
    %get3A_4 = vector.load %arg1[%get3A_2, %get3A_3] : memref<4x1024xf32, #tpu.memory_space<vmem>>, vector<4x1024xf32>
    %add3A = arith.addf %get3A_1, %get3A_4 : vector<4x1024xf32>
    %mul3A = arith.constant 4.8828125E-4 : f32
    %mul3A_5 = vector.broadcast %mul3A : f32 to vector<4x1024xf32>
    %mul3A_6 = arith.mulf %add3A, %mul3A_5 : vector<4x1024xf32>
    %mul3A_7 = arith.mulf %mul3A_6, %mul3A_6 : vector<4x1024xf32>
    %reduce_sum3A = arith.constant dense<0.000000e+00> : vector<4xf32>
    %reduce_sum3A_8 = vector.multi_reduction <add>, %mul3A_7, %reduce_sum3A [1] : vector<4x1024xf32> to vector<4xf32>
    %broadcast_in_dim3A = vector.shape_cast %reduce_sum3A_8 : vector<4xf32> to vector<4x1xf32>
    %max3A = arith.constant 9.99999996E-13 : f32
    %max3A_9 = vector.broadcast %max3A : f32 to vector<4x1xf32>
    %max3A_10 = arith.maximumf %broadcast_in_dim3A, %max3A_9 : vector<4x1xf32>
    %rsqrt3A = math.rsqrt %max3A_10 : vector<4x1xf32>
    %mul3A_11 = vector.broadcast %rsqrt3A : vector<4x1xf32> to vector<4x1024xf32>
    %mul3A_12 = arith.mulf %mul3A_6, %mul3A_11 : vector<4x1024xf32>
    %get3A_13 = arith.constant 0 : index
    %get3A_14 = arith.constant 0 : index
    %get3A_15 = vector.load %arg2[%get3A_13, %get3A_14] : memref<64x1024xf32, #tpu.memory_space<vmem>>, vector<64x1024xf32>
    %mul3A_16 = arith.mulf %get3A_15, %get3A_15 : vector<64x1024xf32>
    %reduce_sum3A_17 = arith.constant dense<0.000000e+00> : vector<64xf32>
    %reduce_sum3A_18 = vector.multi_reduction <add>, %mul3A_16, %reduce_sum3A_17 [1] : vector<64x1024xf32> to vector<64xf32>
    %broadcast_in_dim3A_19 = vector.shape_cast %reduce_sum3A_18 : vector<64xf32> to vector<64x1xf32>
    %max3A_20 = arith.constant 9.99999996E-13 : f32
    %max3A_21 = vector.broadcast %max3A_20 : f32 to vector<64x1xf32>
    %max3A_22 = arith.maximumf %broadcast_in_dim3A_19, %max3A_21 : vector<64x1xf32>
    %rsqrt3A_23 = math.rsqrt %max3A_22 : vector<64x1xf32>
    %mul3A_24 = vector.broadcast %rsqrt3A_23 : vector<64x1xf32> to vector<64x1024xf32>
    %mul3A_25 = arith.mulf %get3A_15, %mul3A_24 : vector<64x1024xf32>
    %dot_general3A = arith.constant dense<0.000000e+00> : vector<4x64xf32>
    %dot_general3A_26 = tpu.matmul %mul3A_12, %mul3A_25, %dot_general3A {dimension_numbers = #tpu.dot_dimension_numbers<[1], [1], [0], [0], [0, 0, 1, 0], [], []>, transpose_lhs_hint = false} : vector<4x1024xf32>, vector<64x1024xf32>, vector<4x64xf32> -> vector<4x64xf32>
    %swap3A = arith.constant 0 : index
    %swap3A_27 = arith.constant 0 : index
    %swap3A_28 = vector.load %arg4[%swap3A, %swap3A_27] : memref<4x64xf32, #tpu.memory_space<vmem>>, vector<4x64xf32>
    tpu.vector_store %arg4[%swap3A, %swap3A_27], %dot_general3A_26 {strides = array<i32>} : memref<4x64xf32, #tpu.memory_space<vmem>>, vector<4x64xf32>,
    %dot_general3A_29 = arith.constant dense<0.000000e+00> : vector<64x64xf32>
    %dot_general3A_30 = tpu.matmul %mul3A_25, %mul3A_25, %dot_general3A_29 {dimension_numbers = #tpu.dot_dimension_numbers<[1], [1], [0], [0], [0, 0, 1, 0], [], []>, transpose_lhs_hint = false} : vector<64x1024xf32>, vector<64x1024xf32>, vector<64x64xf32> -> vector<64x64xf32>
    %iota3A = tpu.iota {dimensions = array<i32: 0>} : vector<64x64xi32>
    %iota3A_31 = tpu.iota {dimensions = array<i32: 1>} : vector<64x64xi32>
    %eq3A = arith.cmpi eq, %iota3A, %iota3A_31 : vector<64x64xi32>
    %convert_element_type3A = arith.extui %eq3A : vector<64x64xi1> to vector<64x64xi32>
    %convert_element_type3A_32 = arith.sitofp %convert_element_type3A : vector<64x64xi32> to vector<64x64xf32>
    %sub3A = arith.subf %dot_general3A_30, %convert_element_type3A_32 : vector<64x64xf32>
    %mul3A_33 = arith.mulf %sub3A, %sub3A : vector<64x64xf32>
    %reduce_sum3A_34 = vector.shape_cast %mul3A_33 : vector<64x64xf32> to vector<1x64x64xf32>
    %reduce_sum3A_35 = arith.constant dense<0.000000e+00> : vector<1xf32>
    %reduce_sum3A_36 = vector.multi_reduction <add>, %reduce_sum3A_34, %reduce_sum3A_35 [1, 2] : vector<1x64x64xf32> to vector<1xf32>
    %reduce_sum3A_37 = vector.shape_cast %reduce_sum3A_36 : vector<1xf32> to vector<1x1x1xf32>
    %reduce_sum3A_38 = vector.extract %reduce_sum3A_37[0, 0, 0] : f32 from vector<1x1x1xf32>
    %mul3A_39 = arith.constant 2.44140625E-4 : f32
    %mul3A_40 = arith.mulf %reduce_sum3A_38, %mul3A_39 : f32
    %reshape3A = vector.broadcast %mul3A_40 : f32 to vector<1x1xf32>
    %swap3A_41 = arith.constant 0 : index
    %swap3A_42 = arith.constant 0 : index
    %swap3A_43 = vector.load %arg5[%swap3A_41, %swap3A_42] : memref<1x1xf32, #tpu.memory_space<vmem>>, vector<1x1xf32>
    tpu.vector_store %arg5[%swap3A_41, %swap3A_42], %reshape3A {strides = array<i32>} : memref<1x1xf32, #tpu.memory_space<vmem>>, vector<1x1xf32>,
    %iota3A_44 = tpu.iota {dimensions = array<i32: 1>} : vector<4x64xi32>
    %reduce_max3A = arith.constant dense<0xFF800000> : vector<4xf32>
    %reduce_max3A_45 = vector.multi_reduction <maximumf>, %dot_general3A_26, %reduce_max3A [1] : vector<4x64xf32> to vector<4xf32>
    %broadcast_in_dim3A_46 = vector.shape_cast %reduce_max3A_45 : vector<4xf32> to vector<4x1xf32>
    %eq3A_47 = vector.broadcast %broadcast_in_dim3A_46 : vector<4x1xf32> to vector<4x64xf32>
    %eq3A_48 = arith.cmpf oeq, %dot_general3A_26, %eq3A_47 : vector<4x64xf32>
    %jit3A = arith.constant 64 : i32
    %broadcast_in_dim3A_49 = vector.broadcast %jit3A : i32 to vector<4x64xi32>
    %select_n3A = arith.select %eq3A_48, %iota3A_44, %broadcast_in_dim3A_49 : vector<4x64xi1>, vector<4x64xi32>
    %reduce_min3A = arith.constant dense<2147483647> : vector<4xi32>
    %reduce_min3A_50 = vector.multi_reduction <minsi>, %select_n3A, %reduce_min3A [1] : vector<4x64xi32> to vector<4xi32>
    %broadcast_in_dim3A_51 = vector.shape_cast %reduce_min3A_50 : vector<4xi32> to vector<4x1xi32>
    %eq3A_52 = vector.broadcast %broadcast_in_dim3A_51 : vector<4x1xi32> to vector<4x64xi32>
    %eq3A_53 = arith.cmpi eq, %iota3A_44, %eq3A_52 : vector<4x64xi32>
    %jit3A_54 = arith.constant 0xFF800000 : f32
    %broadcast_in_dim3A_55 = vector.broadcast %jit3A_54 : f32 to vector<4x64xf32>
    %select_n3A_56 = arith.select %eq3A_53, %broadcast_in_dim3A_55, %dot_general3A_26 : vector<4x64xi1>, vector<4x64xf32>
    %reduce_max3A_57 = arith.constant dense<0xFF800000> : vector<4xf32>
    %reduce_max3A_58 = vector.multi_reduction <maximumf>, %select_n3A_56, %reduce_max3A_57 [1] : vector<4x64xf32> to vector<4xf32>
    %broadcast_in_dim3A_59 = vector.shape_cast %reduce_max3A_58 : vector<4xf32> to vector<4x1xf32>
    %eq3A_60 = vector.broadcast %broadcast_in_dim3A_59 : vector<4x1xf32> to vector<4x64xf32>
    %eq3A_61 = arith.cmpf oeq, %select_n3A_56, %eq3A_60 : vector<4x64xf32>
    %jit3A_62 = arith.constant 64 : i32
    %broadcast_in_dim3A_63 = vector.broadcast %jit3A_62 : i32 to vector<4x64xi32>
    %select_n3A_64 = arith.select %eq3A_61, %iota3A_44, %broadcast_in_dim3A_63 : vector<4x64xi1>, vector<4x64xi32>
    %reduce_min3A_65 = arith.constant dense<2147483647> : vector<4xi32>
    %reduce_min3A_66 = vector.multi_reduction <minsi>, %select_n3A_64, %reduce_min3A_65 [1] : vector<4x64xi32> to vector<4xi32>
    %broadcast_in_dim3A_67 = vector.shape_cast %reduce_min3A_66 : vector<4xi32> to vector<4x1xi32>
    %concatenate3A = tpu.concatenate %broadcast_in_dim3A_46, %broadcast_in_dim3A_59 in 1 : vector<4x1xf32>, vector<4x1xf32> -> vector<4x2xf32>
    %swap3A_68 = arith.constant 0 : index
    %swap3A_69 = arith.constant 0 : index
    %swap3A_70 = vector.load %arg6[%swap3A_68, %swap3A_69] : memref<4x2xf32, #tpu.memory_space<vmem>>, vector<4x2xf32>
    tpu.vector_store %arg6[%swap3A_68, %swap3A_69], %concatenate3A {strides = array<i32>} : memref<4x2xf32, #tpu.memory_space<vmem>>, vector<4x2xf32>,
    %slice3A = vector.extract_strided_slice %broadcast_in_dim3A_51 {offsets = [0, 0], sizes = [1, 1], strides = [1, 1]} : vector<4x1xi32> to vector<1x1xi32>
    %squeeze3A = vector.extract %slice3A[0, 0] : i32 from vector<1x1xi32>
    %get3A_71 = arith.index_cast %squeeze3A : i32 to index
    %get3A_72 = arith.constant 0 : index
    %get3A_73 = arith.constant 0 : index
    %get3A_74 = vector.load %arg3[%get3A_71, %get3A_72, %get3A_73] : memref<64x8x1024xf32, #tpu.memory_space<vmem>>, vector<1x8x1024xf32>
    %get3A_75 = vector.shape_cast %get3A_74 : vector<1x8x1024xf32> to vector<8x1024xf32>
    %swap3A_76 = arith.constant 0 : index
    %swap3A_77 = arith.constant 0 : index
    %swap3A_78 = arith.constant 0 : index
    %swap3A_79 = vector.load %arg7[%swap3A_76, %swap3A_77, %swap3A_78] : memref<4x16x1024xf32, #tpu.memory_space<vmem>>, vector<1x8x1024xf32>
    %swap3A_80 = vector.shape_cast %swap3A_79 : vector<1x8x1024xf32> to vector<8x1024xf32>
    %swap3A_81 = vector.shape_cast %get3A_75 : vector<8x1024xf32> to vector<1x8x1024xf32>
    tpu.vector_store %arg7[%swap3A_76, %swap3A_77, %swap3A_78], %swap3A_81 {strides = array<i32>} : memref<4x16x1024xf32, #tpu.memory_space<vmem>>, vector<1x8x1024xf32>,
    %slice3A_82 = vector.extract_strided_slice %broadcast_in_dim3A_67 {offsets = [0, 0], sizes = [1, 1], strides = [1, 1]} : vector<4x1xi32> to vector<1x1xi32>
    %squeeze3A_83 = vector.extract %slice3A_82[0, 0] : i32 from vector<1x1xi32>
    %get3A_84 = arith.index_cast %squeeze3A_83 : i32 to index
    %get3A_85 = arith.constant 0 : index
    %get3A_86 = arith.constant 0 : index
    %get3A_87 = vector.load %arg3[%get3A_84, %get3A_85, %get3A_86] : memref<64x8x1024xf32, #tpu.memory_space<vmem>>, vector<1x8x1024xf32>
    %get3A_88 = vector.shape_cast %get3A_87 : vector<1x8x1024xf32> to vector<8x1024xf32>
    %swap3A_89 = arith.constant 0 : index
    %swap3A_90 = arith.constant 8 : index
    %swap3A_91 = arith.constant 0 : index
    %swap3A_92 = vector.load %arg7[%swap3A_89, %swap3A_90, %swap3A_91] : memref<4x16x1024xf32, #tpu.memory_space<vmem>>, vector<1x8x1024xf32>
    %swap3A_93 = vector.shape_cast %swap3A_92 : vector<1x8x1024xf32> to vector<8x1024xf32>
    %swap3A_94 = vector.shape_cast %get3A_88 : vector<8x1024xf32> to vector<1x8x1024xf32>
    tpu.vector_store %arg7[%swap3A_89, %swap3A_90, %swap3A_91], %swap3A_94 {strides = array<i32>} : memref<4x16x1024xf32, #tpu.memory_space<vmem>>, vector<1x8x1024xf32>,
    %slice3A_95 = vector.extract_strided_slice %broadcast_in_dim3A_51 {offsets = [1, 0], sizes = [1, 1], strides = [1, 1]} : vector<4x1xi32> to vector<1x1xi32>
    %squeeze3A_96 = vector.extract %slice3A_95[0, 0] : i32 from vector<1x1xi32>
    %get3A_97 = arith.index_cast %squeeze3A_96 : i32 to index
    %get3A_98 = arith.constant 0 : index
    %get3A_99 = arith.constant 0 : index
    %get3A_100 = vector.load %arg3[%get3A_97, %get3A_98, %get3A_99] : memref<64x8x1024xf32, #tpu.memory_space<vmem>>, vector<1x8x1024xf32>
    %get3A_101 = vector.shape_cast %get3A_100 : vector<1x8x1024xf32> to vector<8x1024xf32>
    %swap3A_102 = arith.constant 1 : index
    %swap3A_103 = arith.constant 0 : index
    %swap3A_104 = arith.constant 0 : index
    %swap3A_105 = vector.load %arg7[%swap3A_102, %swap3A_103, %swap3A_104] : memref<4x16x1024xf32, #tpu.memory_space<vmem>>, vector<1x8x1024xf32>
    %swap3A_106 = vector.shape_cast %swap3A_105 : vector<1x8x1024xf32> to vector<8x1024xf32>
    %swap3A_107 = vector.shape_cast %get3A_101 : vector<8x1024xf32> to vector<1x8x1024xf32>
    tpu.vector_store %arg7[%swap3A_102, %swap3A_103, %swap3A_104], %swap3A_107 {strides = array<i32>} : memref<4x16x1024xf32, #tpu.memory_space<vmem>>, vector<1x8x1024xf32>,
    %slice3A_108 = vector.extract_strided_slice %broadcast_in_dim3A_67 {offsets = [1, 0], sizes = [1, 1], strides = [1, 1]} : vector<4x1xi32> to vector<1x1xi32>
    %squeeze3A_109 = vector.extract %slice3A_108[0, 0] : i32 from vector<1x1xi32>
    %get3A_110 = arith.index_cast %squeeze3A_109 : i32 to index
    %get3A_111 = arith.constant 0 : index
    %get3A_112 = arith.constant 0 : index
    %get3A_113 = vector.load %arg3[%get3A_110, %get3A_111, %get3A_112] : memref<64x8x1024xf32, #tpu.memory_space<vmem>>, vector<1x8x1024xf32>
    %get3A_114 = vector.shape_cast %get3A_113 : vector<1x8x1024xf32> to vector<8x1024xf32>
    %swap3A_115 = arith.constant 1 : index
    %swap3A_116 = arith.constant 8 : index
    %swap3A_117 = arith.constant 0 : index
    %swap3A_118 = vector.load %arg7[%swap3A_115, %swap3A_116, %swap3A_117] : memref<4x16x1024xf32, #tpu.memory_space<vmem>>, vector<1x8x1024xf32>
    %swap3A_119 = vector.shape_cast %swap3A_118 : vector<1x8x1024xf32> to vector<8x1024xf32>
    %swap3A_120 = vector.shape_cast %get3A_114 : vector<8x1024xf32> to vector<1x8x1024xf32>
    tpu.vector_store %arg7[%swap3A_115, %swap3A_116, %swap3A_117], %swap3A_120 {strides = array<i32>} : memref<4x16x1024xf32, #tpu.memory_space<vmem>>, vector<1x8x1024xf32>,
    %slice3A_121 = vector.extract_strided_slice %broadcast_in_dim3A_51 {offsets = [2, 0], sizes = [1, 1], strides = [1, 1]} : vector<4x1xi32> to vector<1x1xi32>
    %squeeze3A_122 = vector.extract %slice3A_121[0, 0] : i32 from vector<1x1xi32>
    %get3A_123 = arith.index_cast %squeeze3A_122 : i32 to index
    %get3A_124 = arith.constant 0 : index
    %get3A_125 = arith.constant 0 : index
    %get3A_126 = vector.load %arg3[%get3A_123, %get3A_124, %get3A_125] : memref<64x8x1024xf32, #tpu.memory_space<vmem>>, vector<1x8x1024xf32>
    %get3A_127 = vector.shape_cast %get3A_126 : vector<1x8x1024xf32> to vector<8x1024xf32>
    %swap3A_128 = arith.constant 2 : index
    %swap3A_129 = arith.constant 0 : index
    %swap3A_130 = arith.constant 0 : index
    %swap3A_131 = vector.load %arg7[%swap3A_128, %swap3A_129, %swap3A_130] : memref<4x16x1024xf32, #tpu.memory_space<vmem>>, vector<1x8x1024xf32>
    %swap3A_132 = vector.shape_cast %swap3A_131 : vector<1x8x1024xf32> to vector<8x1024xf32>
    %swap3A_133 = vector.shape_cast %get3A_127 : vector<8x1024xf32> to vector<1x8x1024xf32>
    tpu.vector_store %arg7[%swap3A_128, %swap3A_129, %swap3A_130], %swap3A_133 {strides = array<i32>} : memref<4x16x1024xf32, #tpu.memory_space<vmem>>, vector<1x8x1024xf32>,
    %slice3A_134 = vector.extract_strided_slice %broadcast_in_dim3A_67 {offsets = [2, 0], sizes = [1, 1], strides = [1, 1]} : vector<4x1xi32> to vector<1x1xi32>
    %squeeze3A_135 = vector.extract %slice3A_134[0, 0] : i32 from vector<1x1xi32>
    %get3A_136 = arith.index_cast %squeeze3A_135 : i32 to index
    %get3A_137 = arith.constant 0 : index
    %get3A_138 = arith.constant 0 : index
    %get3A_139 = vector.load %arg3[%get3A_136, %get3A_137, %get3A_138] : memref<64x8x1024xf32, #tpu.memory_space<vmem>>, vector<1x8x1024xf32>
    %get3A_140 = vector.shape_cast %get3A_139 : vector<1x8x1024xf32> to vector<8x1024xf32>
    %swap3A_141 = arith.constant 2 : index
    %swap3A_142 = arith.constant 8 : index
    %swap3A_143 = arith.constant 0 : index
    %swap3A_144 = vector.load %arg7[%swap3A_141, %swap3A_142, %swap3A_143] : memref<4x16x1024xf32, #tpu.memory_space<vmem>>, vector<1x8x1024xf32>
    %swap3A_145 = vector.shape_cast %swap3A_144 : vector<1x8x1024xf32> to vector<8x1024xf32>
    %swap3A_146 = vector.shape_cast %get3A_140 : vector<8x1024xf32> to vector<1x8x1024xf32>
    tpu.vector_store %arg7[%swap3A_141, %swap3A_142, %swap3A_143], %swap3A_146 {strides = array<i32>} : memref<4x16x1024xf32, #tpu.memory_space<vmem>>, vector<1x8x1024xf32>,
    %slice3A_147 = vector.extract_strided_slice %broadcast_in_dim3A_51 {offsets = [3, 0], sizes = [1, 1], strides = [1, 1]} : vector<4x1xi32> to vector<1x1xi32>
    %squeeze3A_148 = vector.extract %slice3A_147[0, 0] : i32 from vector<1x1xi32>
    %get3A_149 = arith.index_cast %squeeze3A_148 : i32 to index
    %get3A_150 = arith.constant 0 : index
    %get3A_151 = arith.constant 0 : index
    %get3A_152 = vector.load %arg3[%get3A_149, %get3A_150, %get3A_151] : memref<64x8x1024xf32, #tpu.memory_space<vmem>>, vector<1x8x1024xf32>
    %get3A_153 = vector.shape_cast %get3A_152 : vector<1x8x1024xf32> to vector<8x1024xf32>
    %swap3A_154 = arith.constant 3 : index
    %swap3A_155 = arith.constant 0 : index
    %swap3A_156 = arith.constant 0 : index
    %swap3A_157 = vector.load %arg7[%swap3A_154, %swap3A_155, %swap3A_156] : memref<4x16x1024xf32, #tpu.memory_space<vmem>>, vector<1x8x1024xf32>
    %swap3A_158 = vector.shape_cast %swap3A_157 : vector<1x8x1024xf32> to vector<8x1024xf32>
    %swap3A_159 = vector.shape_cast %get3A_153 : vector<8x1024xf32> to vector<1x8x1024xf32>
    tpu.vector_store %arg7[%swap3A_154, %swap3A_155, %swap3A_156], %swap3A_159 {strides = array<i32>} : memref<4x16x1024xf32, #tpu.memory_space<vmem>>, vector<1x8x1024xf32>,
    %slice3A_160 = vector.extract_strided_slice %broadcast_in_dim3A_67 {offsets = [3, 0], sizes = [1, 1], strides = [1, 1]} : vector<4x1xi32> to vector<1x1xi32>
    %squeeze3A_161 = vector.extract %slice3A_160[0, 0] : i32 from vector<1x1xi32>
    %get3A_162 = arith.index_cast %squeeze3A_161 : i32 to index
    %get3A_163 = arith.constant 0 : index
    %get3A_164 = arith.constant 0 : index
    %get3A_165 = vector.load %arg3[%get3A_162, %get3A_163, %get3A_164] : memref<64x8x1024xf32, #tpu.memory_space<vmem>>, vector<1x8x1024xf32>
    %get3A_166 = vector.shape_cast %get3A_165 : vector<1x8x1024xf32> to vector<8x1024xf32>
    %swap3A_167 = arith.constant 3 : index
    %swap3A_168 = arith.constant 8 : index
    %swap3A_169 = arith.constant 0 : index
    %swap3A_170 = vector.load %arg7[%swap3A_167, %swap3A_168, %swap3A_169] : memref<4x16x1024xf32, #tpu.memory_space<vmem>>, vector<1x8x1024xf32>
    %swap3A_171 = vector.shape_cast %swap3A_170 : vector<1x8x1024xf32> to vector<8x1024xf32>
    %swap3A_172 = vector.shape_cast %get3A_166 : vector<8x1024xf32> to vector<1x8x1024xf32>
    tpu.vector_store %arg7[%swap3A_167, %swap3A_168, %swap3A_169], %swap3A_172 {strides = array<i32>} : memref<4x16x1024xf32, #tpu.memory_space<vmem>>, vector<1x8x1024xf32>,
    return
  }
}

</mosaic_0001>

<sc_bundles>
// kernel: kernel.5.cloned.1.call-start
scs
__scs_entry_jumppad:
0x0: {  	(pc) =	sbr.rel $0x88, $3  }
0x1: {  	(tag) =	ssettag $0x0;
	lr =	simm.s32 $0x1  }
0x2: {  	[smem:$0x3F9E] =	sst lr;
	_ =	strace $0xD0000000  }
0x3: {  	_ = 	snop  }
0x4: {  	_ = 	snop  }
0x5: {  	_ = 	snop  }
0x6: {  	_ = 	snop  }
0x7: {  	_ = 	snop  }
__scs_overlays_trampoline_lowered:
0x8: {  	[smem:$0x3FAD] =	sst s0  }
0x9: {  	[smem:$0x3FAE] =	sst s1  }
0xa: {  	[smem:$0x3FAF] =	sst s2  }
0xb: {  	[smem:$0x3FB0] =	sst s3  }
0xc: {  	[smem:$0x3FB1] =	sst s4  }
0xd: {  	[smem:$0x3FB2] =	sst s5  }
0xe: {  	[smem:$0x3FB3] =	sst s6  }
0xf: {  	[smem:$0x3FB4] =	sst s7  }
0x10: {  	[smem:$0x3FB5] =	sst s8  }
0x11: {  	[smem:$0x3FB6] =	sst s9;
	s0 =	simm.s32 @!p0 $0x0  }
0x12: {  	s1 =	sld [smem:$0x3F9C];
	s0 =	simm.s32 @p0 $0x1  }
0x13: {  	[smem:$0x3FB7] =	sst s0;
	s0 =	simm.s32 @!p1 $0x0  }
0x14: {  	s2 =	sld [smem:$0x3F9B];
	s0 =	simm.s32 @p1 $0x1  }
0x15: {  	[smem:$0x3FB8] =	sst s0;
	s0 =	simm.s32 @!p2 $0x0  }
0x16: {  	s3 =	sld [smem:$0x3FDB];
	s0 =	simm.s32 @p2 $0x1  }
0x17: {  	s4 =	simm.s32 $0x1BF5;
	[smem:$0x3FBA] =	sst s0  }
0x18: {  	s0 =	sld [smem:$0x3F9D];
	_ =	swait.ge [sflag:s4], $0x0  }
0x19: {  	s7 =	sld [smem:$0x3F9E]  }
0x1a: {  	s8 =	sadd.s32 $0xFFFFE003, lr  }
0x1b: {  	s9 =	sadd.s32 $0xFFFFFEF7, lr;
	s5 =	simm.s32 $0xFFFFFFFF;
	p2 =	slt.u32 s8, $0xFFFFF086  }
0x1c: {  	p1 =	slt.u32 s9, $0xF7A;
	s5 =	simm.s32 @!p2 $0x0  }
0x1d: {  	s5 =	simm.s32 @p1 $0x1;
	p0 =	seq.s32 s7, s2  }
0x1e: {  	s7 =	smul.u32 @!p0 $0xF7A, s2;
	p2 =	seq.s32 @!p0 s5, $0x0  }
0x1f: {  	s9 =	smul.u32 $0xF7A, s1;
	s8 =	simm.s32 @!p0 $0x1BF5;
	p2 =	por !p2, p0  }
0x20: {  	[sflag:s8] =	ssyncset.s32 @!p0 $0xFFFFF086;
	s6 =	sadd.s32 @!p0 s3, s7;
	s7 =	simm.s32 @!p0 $0x108  }
0x21: {  	s3 =	sadd.s32 s3, s9;
	s6 =	sadd.s32 @!p0 $0x88, s6;
	s7 =	simm.s32 @p2 $0x1082  }
0x22: {  	[simem:s7], [sflag:s8] =	dma.local @!p0 [hbm:s6], $0xF7A  }
0x23: {  	s9 =	sor.u32 $0xD0000000, s2;
	s6 =	simm.s32 $0x108;
	_ =	swait.ge @!p0 [sflag:s8], $0x0  }
0x24: {  	s3 =	sadd.s32 $0x88, s3;
	s6 =	simm.s32 @!p1 $0x1082;
	[sflag:s4] =	ssyncset.s32 $0xFFFFF086  }
0x25: {  	[simem:s6], [sflag:s4] =	dma.local [hbm:s3], $0xF7A  }
0x26: {  	[smem:$0x3F9E] =	sst s1;
	(tag) =	ssettag s2;
	_ =	strace s9  }
0x27: {  	s1 =	sld [smem:$0x3FAE]  }
0x28: {  	s2 =	sld [smem:$0x3FAF]  }
0x29: {  	s4 =	sld [smem:$0x3FB1]  }
0x2a: {  	p0 =	seq.s32 s5, $0x0;
	s5 =	sld [smem:$0x3FB2]  }
0x2b: {  	s6 =	sld [smem:$0x3FB3]  }
0x2c: {  	s7 =	sld [smem:$0x3FB4]  }
0x2d: {  	s3 =	simm.s32 $0x108;
	s8 =	sld [smem:$0x3FB5]  }
0x2e: {  	s3 =	simm.s32 @!p0 $0x1082;
	s9 =	sld [smem:$0x3FB6]  }
0x2f: {  	lr =	sadd.s32 s0, s3;
	s0 =	sld [smem:$0x3FAD]  }
0x30: {  	s3 =	sld [smem:$0x3FB0]  }
0x31: {  	[smem:$0x3FB9] =	sst s10  }
0x32: {  	s10 =	sld [smem:$0x3FB7];
	_ =	sdelay $0x3  }
0x33: {  	p0 =	seq.s32 s10, $0x1;
	s10 =	sld [smem:$0x3FB9];
	_ =	sdelay $0x3  }
0x34: {  	[smem:$0x3FB9] =	sst s10  }
0x35: {  	s10 =	sld [smem:$0x3FB8];
	_ =	sdelay $0x3  }
0x36: {  	p1 =	seq.s32 s10, $0x1;
	s10 =	sld [smem:$0x3FB9];
	_ =	sdelay $0x3  }
0x37: {  	[smem:$0x3FB9] =	sst s10  }
0x38: {  	s10 =	sld [smem:$0x3FBA]  }
0x39: {  	_ = 	snop;
	(pc) =	sbr.ind lr, $3  }
0x3a: {  	_ = 	snop  }
0x3b: {  	_ = 	snop  }
0x3c: {  	p2 =	seq.s32 s10, $0x1;
	s10 =	sld [smem:$0x3FB9]  }
0x3d: {  	_ =	shalt  }
0x3e: {  	_ =	shalt  }
0x3f: {  	_ =	shalt  }
0x40: {  	_ =	shalt  }
0x41: {  	_ =	shalt  }
0x42: {  	_ =	shalt  }
0x43: {  	_ =	shalt  }
0x44: {  	_ =	shalt  }
0x45: {  	_ =	shalt  }
0x46: {  	_ =	shalt  }
0x47: {  	_ =	shalt  }
0x48: {  	_ =	shalt  }
0x49: {  	_ =	shalt  }
0x4a: {  	_ =	shalt  }
0x4b: {  	_ =	shalt  }
0x4c: {  	_ =	shalt  }
0x4d: {  	_ =	shalt  }
0x4e: {  	_ =	shalt  }
0x4f: {  	_ =	shalt  }
0x50: {  	_ =	shalt  }
0x51: {  	_ =	shalt  }
0x52: {  	_ =	shalt  }
0x53: {  	_ =	shalt  }
0x54: {  	_ =	shalt  }
0x55: {  	_ =	shalt  }
0x56: {  	_ =	shalt  }
0x57: {  	_ =	shalt  }
0x58: {  	_ =	shalt  }
0x59: {  	_ =	shalt  }
0x5a: {  	_ =	shalt  }
0x5b: {  	_ =	shalt  }
0x5c: {  	_ =	shalt  }
0x5d: {  	_ =	shalt  }
0x5e: {  	_ =	shalt  }
0x5f: {  	_ =	shalt  }
0x60: {  	_ =	shalt  }
0x61: {  	_ =	shalt  }
0x62: {  	_ =	shalt  }
0x63: {  	_ =	shalt  }
0x64: {  	_ =	shalt  }
0x65: {  	_ =	shalt  }
0x66: {  	_ =	shalt  }
0x67: {  	_ =	shalt  }
0x68: {  	_ =	shalt  }
0x69: {  	_ =	shalt  }
0x6a: {  	_ =	shalt  }
0x6b: {  	_ =	shalt  }
0x6c: {  	_ =	shalt  }
0x6d: {  	_ =	shalt  }
0x6e: {  	_ =	shalt  }
0x6f: {  	_ =	shalt  }
0x70: {  	_ =	shalt  }
0x71: {  	_ =	shalt  }
0x72: {  	_ =	shalt  }
0x73: {  	_ =	shalt  }
0x74: {  	_ =	shalt  }
0x75: {  	_ =	shalt  }
0x76: {  	_ =	shalt  }
0x77: {  	_ =	shalt  }
0x78: {  	_ =	shalt  }
0x79: {  	_ =	shalt  }
0x7a: {  	_ =	shalt  }
0x7b: {  	_ =	shalt  }
0x7c: {  	_ =	shalt  }
0x7d: {  	_ =	shalt  }
0x7e: {  	_ =	shalt  }
0x7f: {  	_ =	shalt  }
0x80: {  	_ =	shalt  }
0x81: {  	_ =	shalt  }
0x82: {  	_ =	shalt  }
0x83: {  	_ =	shalt  }
0x84: {  	_ =	shalt  }
0x85: {  	_ =	shalt  }
0x86: {  	_ =	shalt  }
0x87: {  	_ =	shalt  }
.Lfunc_end0:
.L_simem_size_0:
called_computation_lowered:
.L_overlay_start_0:
0x88: {  	s2 =	sld [smem:$0x3FD9]  }
0x89: {  	s3 =	sld [smem:$0x3FFE];
	_ =	sdelay $0x1  }
0x8a: {  	s1 =	srdreg.scid  }
0x8b: {  	s0 =	sand.u32 $0x1, s1  }
0x8c: {  	s15 =	sshll.u32 s0, $0xA;
	s2 =	sadd.s32 s3, s2  }
0x8d: {  	s2 =	sadd.s32 s2, s15  }
0x8e: {  	[smem:$0x3FC5] =	sst s2  }
0x8f: {  	_ = 	snop  }
0x90: {  	s2 =	sld [smem:$0x3FD0];
	_ =	sdelay $0x2  }
0x91: {  	s4 =	simm.s32 $0xA;
	s5 =	simm.s32 $0x10;
	s16 =	sld [smem:$0x3FC9]  }
0x92: {  	[smem:s5], [sflag:s4] =	dma.local [hbm:s2], $0x1  }
0x93: {  	_ =	swait.eq [sflag:s4], $0x1  }
0x94: {  	[sflag:s4] =	ssyncset.done $0x0  }
0x95: {  	[sflag:s4] =	ssyncadd.s32 $0xFFFFFFFF  }
0x96: {  	s17 =	sld [smem:$0x14];
	(tm) =	ssettm $0x1  }
0x97: {  	s18 =	sld [smem:$0x3FFB];
	_ =	sdelay $0x3  }
0x98: {  	_ =	strace s18  }
0x99: {  	s4 =	sld [smem:$0x3FFC];
	_ =	sdelay $0x3  }
0x9a: {  	_ =	strace s4  }
0x9b: {  	s4 =	sld [smem:$0x3FFD];
	_ =	sdelay $0x3  }
0x9c: {  	_ =	strace s4  }
0x9d: {  	_ =	strace $0x8FFFFFFF  }
0x9e: {  	s19 =	sld [smem:$0x3FDB];
	_ =	sdelay $0x1  }
0x9f: {  	s20 =	simm.s32 $_scs_section_size  }
0xa0: {  	s6 =	simm.s32 $_size__tile_overlayer_lowered;
	s7 =	simm.s32 $_tile_overlayer_lowered  }
0xa1: {  	s23 =	simm.s32 $0x1BFF;
	s22 =	sshll.u32 s7, $0x1;
	s4 =	sadd.s32 s20, s19  }
0xa2: {  	s8 =	simm.s32 $0x0;
	s21 =	sshll.u32 s6, $0x1;
	s6 =	sadd.s32 s22, s4  }
0xa3: {  	[timem:s8], [sflag:s23] =	dma.local [hbm:s6], s21  }
0xa4: {  	_ =	swait.ge [sflag:s23], s21  }
0xa5: {  	s5 =	ssub.s32 $0x0, s21;
	[sflag:s23] =	ssyncset.done $0x0  }
0xa6: {  	[sflag:s23] =	ssyncadd.s32 s5;
	_ =	sdelay $0x1  }
0xa7: {  	s24 =	simm.s32 $0x1B8B  }
0xa8: {  	_ =	swait.ge [sflag:s24], $0x1  }
0xa9: {  	[sflag:s24] =	ssyncset.done $0x0  }
0xaa: {  	s25 =	simm.s32 $0x1B8E;
	[sflag:s24] =	ssyncadd.s32 $0xFFFFFFFF  }
0xab: {  	s26 =	simm.s32 $execute0_lowered;
	[smem:$0x3FD2] =	sst s25  }
0xac: {  	s5 =	sshll.u32 s26, $0x1;
	_ =	strace $0x80000046;
	[dreg:$0x1] =	wrdreg $0xFFFFFFFF  }
0xad: {  	s28 =	simm.s32 $_size_execute0_lowered;
	s4 =	sadd.s32 s4, s5;
	[dreg:$0x0] =	wrdreg $0x0  }
0xae: {  	s5 =	sshll.u32 s28, $0x1;
	[dreg:$0x2] =	wrdreg s4  }
0xaf: {  	[dreg:$0x3] =	wrdreg s5  }
0xb0: {  	[dreg:$0x4] =	wrdreg $0xC0  }
0xb1: {  	_ =	task [dreg:s8], $0x5FFFF  }
0xb2: {  	[dreg:$0x1] =	wrdreg $0xFFFFFFFF  }
0xb3: {  	[dreg:$0x0] =	wrdreg $0x60  }
0xb4: {  	[dreg:$0x2] =	wrdreg s16  }
0xb5: {  	[dreg:$0x3] =	wrdreg s17  }
0xb6: {  	[dreg:$0x4] =	wrdreg $0x9  }
0xb7: {  	_ =	task.clear_ibuf [dreg:s8], $0x5FFFF;
	_ =	strace $0x90000046  }
0xb8: {  	s29 =	simm.s32 $0x9;
	_ =	strace $0x80000048  }
0xb9: {  	_ =	swait.ge [sflag:s29], $0x1  }
0xba: {  	[sflag:s29] =	ssyncadd.s32 $0xFFFFFFFF  }
0xbb: {  	_ =	strace $0x90000048  }
0xbc: {  	_ =	sfence  }
0xbd: {  	s30 =	sld [smem:$0x0];
	_ =	sdelay $0x2  }
0xbe: {  	s31 =	sshll.u32 s1, $0xD;
	s1 =	sshrl.u32 s1, $0x2  }
0xbf: {  	s3 =	sand.u32 $0x4000, s31;
	s1 =	sadd.s32 s1, s30  }
0xc0: {  	s0 =	sor.u32 s3, s0;
	s1 =	sshll.u32 s1, $0x11  }
0xc1: {  	s0 =	sor.u32 s1, s0  }
0xc2: {  	s0 =	sadd.s32 $0x8F2B, s0  }
0xc3: {  	[sflag:s0] =	ssyncadd.remote.s32 $0x1  }
0xc4: {  	_ =	sfence.sel $0xFFFF  }
0xc5: {  	[dreg:$0x0] =	wrdreg $0xFFFFFFFF;
	(pc) =	sbr.abs _section_cstart, $3  }
0xc6: {  	[dreg:$0x1] =	wrdreg $0xFFFFFFFF  }
0xc7: {  	_ =	task.clear_ibuf [dreg:s8], $0x2FFFF;
	_ =	strace $0x9FFFFFFF  }
0xc8: {  	(tm) =	ssettm $0x7FFFFFFF  }
0xc9: {  	_ =	shalt  }
tec
execute0_lowered:
.L_overlay_start_1:
0x0: {  	(tag) =	ssettag $0x1  }
0x1: {  	s0 =	stileid.u32;
	s3 =	rddreg [dreg:$0x0]  }
0x2: {  	s1 =	srdreg.scid;
	s5 =	rddreg [dreg:$0x1]  }
0x3: {  	s11 =	simm.s32 $0x8000;
	s12 =	simm.s32 $0x1;
	s13 =	simm.s32 $0x2  }
0x4: {  	s14 =	simm.s32 $0x10000;
	s15 =	simm.s32 $0x3;
	s16 =	simm.s32 $0x0  }
0x5: {  	s2 =	sshll.u32 s0, $0x1;
	s4 =	sand.u32 $0x1, s1;
	s6 =	sshrl.u32 s0, $0x2  }
0x6: {  	s1 =	rddreg [dreg:$0x2];
	s2 =	sand.u32 $0x6, s2;
	s9 =	sshll.u32 s6, $0x12  }
0x7: {  	s6 =	sshll.u32 s6, $0x4;
	s7 =	sor.u32 s4, s2;
	s2 =	simm.s32 $0x0  }
0x8: {  	s4 =	ssub.s32 $0x2, s4;
	s10 =	sadd.s32 s5, s6;
	s8 =	sshll.u32 s7, $0x7  }
0x9: {  	[smem:$0x7FF] =	sst s2;
	s31 =	sshrl.u32 s4, $0x1;
	s7 =	sshll.u32 s7, $0x6  }
0xa: {  	s8 =	sor.u32 s9, s8;
	_ =	strace $0x80000047;
	s9 =	ssub.s32 s4, s31  }
0xb: {  	s7 =	sadd.s32 s7, s10;
	s10 =	simm.s32 $0x2000;
	s8 =	sadd.s32 s8, s3  }
0xc: {  	s3 =	sadd.s32 $0x20000, s8;
	s4 =	sadd.s32 $0x28000, s8;
	s5 =	sadd.s32 $0x30000, s8  }
0xd: {  	s6 =	sadd.s32 $0x38000, s8;
	s8 =	smax.u32 s9, $0x1;
	s9 =	simm.s32 $0x400  }
.LBB2_1:
0xe: {  	[tilespmem:s2], [sflag:$0x1] =	stream.strided.gather [hbm4b:s3+s9], $0x8000, s10, s9, $0x38;
	[tilespmem:$0x10080] =	vst v63  }
0xf: {  	_ = 	snop  }
0x10: {  	[tilespmem:s11], [sflag:$0x2] =	stream.strided.gather [hbm4b:s4+s9], $0x8000, s10, s9, $0x38;
	[tilespmem:$0x10080] =	vst v63  }
0x11: {  	_ =	swait.ge [sflag:s12], $0x8000  }
0x12: {  	[sflag:s12] =	ssyncset.done $0x0  }
0x13: {  	s19 =	simm.s32 $0x0;
	[sflag:s12] =	ssyncadd.s32 $0xFFFF8000  }
0x14: {  	v0 =	vld [tilespmem:s19+$0x70]  }
0x15: {  	v2 =	vld [tilespmem:s19+$0x0]  }
0x16: {  	v4 =	vld [tilespmem:s19+$0x10]  }
0x17: {  	v5 =	vld [tilespmem:s19+$0x20]  }
0x18: {  	v8 =	vld [tilespmem:s19+$0x30]  }
0x19: {  	v3 =	vimm.f32 $0.0e+00;
	v9 =	vimm.f32 $0.0e+00;
	v6 =	vld [tilespmem:s19+$0x40]  }
0x1a: {  	v10 =	vimm.f32 $0.0e+00;
	v7 =	vimm.f32 $0.0e+00;
	v11 =	vld [tilespmem:s19+$0x50];
	v1 =	vadd.f32 v0, v3  }
0x1b: {  	s17 =	simm.s32 $0x80;
	s18 =	simm.s32 $0x400;
	v12 =	vld [tilespmem:s19+$0x60];
	v0 =	vadd.f32 v2, v3;
	v2 =	vadd.f32 v4, v3;
	v4 =	vimm.f32 $0.0e+00  }
.LBB2_2:
0x1c: {  	p0 =	sne.s32 s18, $0x1FE00;
	v13 =	vld [tilespmem:s17+$0x70];
	v3 =	vadd.f32 v5, v3  }
0x1d: {  	v14 =	vld [tilespmem:s17+$0x0];
	v4 =	vadd.f32 v8, v4  }
0x1e: {  	v15 =	vld [tilespmem:s17+$0x10];
	v9 =	vadd.f32 v6, v9  }
.Ltmp0:
0x1f: {  	v5 =	vld [tilespmem:s17+$0x20];
	v10 =	vadd.f32 v11, v10;
	(pc) =	sbr.rel @p0 .LBB2_2-.Ltmp0, $4  }
0x20: {  	v8 =	vld [tilespmem:s17+$0x30];
	v7 =	vadd.f32 v12, v7  }
0x21: {  	v6 =	vld [tilespmem:s17+$0x40];
	v1 =	vadd.f32 v13, v1  }
0x22: {  	v0 =	vadd.f32 v14, v0;
	v11 =	vld [tilespmem:s17+$0x50]  }
0x23: {  	v2 =	vadd.f32 v15, v2;
	v12 =	vld [tilespmem:s17+$0x60];
	s17 =	sshra.s32 s18, $0x2;
	s18 =	sadd.s32 $0x200, s18  }
0x24: {  	v13 =	vld [tilespmem:s17+$0x70]  }
0x25: {  	v14 =	vld [tilespmem:s17+$0x0]  }
0x26: {  	v15 =	vld [tilespmem:s17+$0x10]  }
0x27: {  	v16 =	vld [tilespmem:s17+$0x20]  }
0x28: {  	v17 =	vld [tilespmem:s17+$0x30]  }
0x29: {  	v18 =	vld [tilespmem:s17+$0x40]  }
0x2a: {  	v19 =	vld [tilespmem:s17+$0x50];
	s31 =	simm.s32 $0x0  }
0x2b: {  	v20 =	vld [tilespmem:s17+$0x60];
	[tilespmem:s31], [sflag:$0x1] =	stream.strided.gather [hbm4b:s5+s9], $0x8000, s10, s9, $0x38  }
0x2c: {  	_ =	swait.ge [sflag:s13], $0x8000  }
0x2d: {  	[sflag:s13] =	ssyncset.done $0x0  }
0x2e: {  	s19 =	simm.s32 $0x0;
	[sflag:s13] =	ssyncadd.s32 $0xFFFF8000  }
0x2f: {  	v3 =	vadd.f32 v5, v3;
	v4 =	vadd.f32 v8, v4;
	v5 =	vld [tilespmem:s19+$0x8070]  }
0x30: {  	v6 =	vadd.f32 v6, v9;
	v10 =	vadd.f32 v11, v10;
	v21 =	vld [tilespmem:s19+$0x8000]  }
0x31: {  	v7 =	vadd.f32 v12, v7;
	v11 =	vadd.f32 v13, v1;
	v12 =	vld [tilespmem:s19+$0x8010]  }
0x32: {  	v13 =	vadd.f32 v14, v0;
	v14 =	vadd.f32 v15, v2;
	v8 =	vld [tilespmem:s19+$0x8020]  }
0x33: {  	v0 =	vadd.f32 v16, v3;
	v1 =	vadd.f32 v17, v4;
	v9 =	vld [tilespmem:s19+$0x8030]  }
0x34: {  	v2 =	vadd.f32 v18, v6;
	v3 =	vadd.f32 v19, v10;
	v10 =	vld [tilespmem:s19+$0x8040]  }
0x35: {  	v4 =	vadd.f32 v20, v7;
	v5 =	vadd.f32 v5, v11;
	v11 =	vld [tilespmem:s19+$0x8050]  }
0x36: {  	s17 =	simm.s32 $0x80;
	s18 =	simm.s32 $0x400;
	v6 =	vadd.f32 v21, v13;
	v7 =	vadd.f32 v12, v14;
	v12 =	vld [tilespmem:s19+$0x8060]  }
.LBB2_4:
0x37: {  	p0 =	sne.s32 s18, $0x1FE00;
	v13 =	vld [tilespmem:s17+$0x8070];
	v0 =	vadd.f32 v8, v0  }
0x38: {  	v14 =	vld [tilespmem:s17+$0x8000];
	v1 =	vadd.f32 v9, v1  }
0x39: {  	v15 =	vld [tilespmem:s17+$0x8010];
	v2 =	vadd.f32 v10, v2  }
.Ltmp1:
0x3a: {  	v8 =	vld [tilespmem:s17+$0x8020];
	v3 =	vadd.f32 v11, v3;
	(pc) =	sbr.rel @p0 .LBB2_4-.Ltmp1, $4  }
0x3b: {  	v9 =	vld [tilespmem:s17+$0x8030];
	v4 =	vadd.f32 v12, v4  }
0x3c: {  	v10 =	vld [tilespmem:s17+$0x8040];
	v5 =	vadd.f32 v13, v5  }
0x3d: {  	v6 =	vadd.f32 v14, v6;
	v11 =	vld [tilespmem:s17+$0x8050]  }
0x3e: {  	v7 =	vadd.f32 v15, v7;
	v12 =	vld [tilespmem:s17+$0x8060];
	s17 =	sshra.s32 s18, $0x2;
	s18 =	sadd.s32 $0x200, s18  }
0x3f: {  	v13 =	vld [tilespmem:s17+$0x8070]  }
0x40: {  	v14 =	vld [tilespmem:s17+$0x8000]  }
0x41: {  	v15 =	vld [tilespmem:s17+$0x8010]  }
0x42: {  	v16 =	vld [tilespmem:s17+$0x8020]  }
0x43: {  	v17 =	vld [tilespmem:s17+$0x8030]  }
0x44: {  	v18 =	vld [tilespmem:s17+$0x8040]  }
0x45: {  	v19 =	vld [tilespmem:s17+$0x8050]  }
0x46: {  	v20 =	vld [tilespmem:s17+$0x8060];
	[tilespmem:s11], [sflag:$0x2] =	stream.strided.gather [hbm4b:s6+s9], $0x8000, s10, s9, $0x38  }
0x47: {  	_ =	swait.ge [sflag:s12], $0x8000  }
0x48: {  	[sflag:s12] =	ssyncset.done $0x0  }
0x49: {  	s19 =	simm.s32 $0x0;
	[sflag:s12] =	ssyncadd.s32 $0xFFFF8000  }
0x4a: {  	v0 =	vadd.f32 v8, v0;
	v1 =	vadd.f32 v9, v1;
	v21 =	vld [tilespmem:s19+$0x70]  }
0x4b: {  	v2 =	vadd.f32 v10, v2;
	v3 =	vadd.f32 v11, v3;
	v22 =	vld [tilespmem:s19+$0x0]  }
0x4c: {  	v4 =	vadd.f32 v12, v4;
	v12 =	vld [tilespmem:s19+$0x10];
	v5 =	vadd.f32 v13, v5  }
0x4d: {  	v8 =	vld [tilespmem:s19+$0x20];
	v6 =	vadd.f32 v14, v6;
	v7 =	vadd.f32 v15, v7  }
0x4e: {  	v9 =	vld [tilespmem:s19+$0x30];
	v0 =	vadd.f32 v16, v0;
	v1 =	vadd.f32 v17, v1  }
0x4f: {  	v10 =	vld [tilespmem:s19+$0x40];
	v2 =	vadd.f32 v18, v2;
	v3 =	vadd.f32 v19, v3  }
0x50: {  	v11 =	vld [tilespmem:s19+$0x50];
	v4 =	vadd.f32 v20, v4;
	v5 =	vadd.f32 v21, v5  }
0x51: {  	s17 =	simm.s32 $0x80;
	s18 =	simm.s32 $0x400;
	v6 =	vadd.f32 v22, v6;
	v7 =	vadd.f32 v12, v7;
	v12 =	vld [tilespmem:s19+$0x60]  }
.LBB2_6:
0x52: {  	p0 =	sne.s32 s18, $0x1FE00;
	v13 =	vld [tilespmem:s17+$0x70];
	v0 =	vadd.f32 v8, v0  }
0x53: {  	v14 =	vld [tilespmem:s17+$0x0];
	v1 =	vadd.f32 v9, v1  }
0x54: {  	v15 =	vld [tilespmem:s17+$0x10];
	v2 =	vadd.f32 v10, v2  }
.Ltmp2:
0x55: {  	v8 =	vld [tilespmem:s17+$0x20];
	v3 =	vadd.f32 v11, v3;
	(pc) =	sbr.rel @p0 .LBB2_6-.Ltmp2, $4  }
0x56: {  	v9 =	vld [tilespmem:s17+$0x30];
	v4 =	vadd.f32 v12, v4  }
0x57: {  	v10 =	vld [tilespmem:s17+$0x40];
	v5 =	vadd.f32 v13, v5  }
0x58: {  	v6 =	vadd.f32 v14, v6;
	v11 =	vld [tilespmem:s17+$0x50]  }
0x59: {  	v7 =	vadd.f32 v15, v7;
	v12 =	vld [tilespmem:s17+$0x60];
	s17 =	sshra.s32 s18, $0x2;
	s18 =	sadd.s32 $0x200, s18  }
0x5a: {  	v13 =	vld [tilespmem:s17+$0x70]  }
0x5b: {  	v14 =	vld [tilespmem:s17+$0x0]  }
0x5c: {  	v15 =	vld [tilespmem:s17+$0x10]  }
0x5d: {  	v16 =	vld [tilespmem:s17+$0x20]  }
0x5e: {  	v17 =	vld [tilespmem:s17+$0x30]  }
0x5f: {  	v18 =	vld [tilespmem:s17+$0x40]  }
0x60: {  	v19 =	vld [tilespmem:s17+$0x50]  }
0x61: {  	v20 =	vld [tilespmem:s17+$0x60];
	_ =	swait.ge [sflag:s13], $0x8000  }
0x62: {  	[sflag:s13] =	ssyncset.done $0x0  }
0x63: {  	s19 =	simm.s32 $0x0;
	[sflag:s13] =	ssyncadd.s32 $0xFFFF8000  }
0x64: {  	v0 =	vadd.f32 v8, v0;
	v1 =	vadd.f32 v9, v1;
	v9 =	vld [tilespmem:s19+$0x8070]  }
0x65: {  	v2 =	vadd.f32 v10, v2;
	v8 =	vadd.f32 v11, v3;
	v10 =	vld [tilespmem:s19+$0x8000]  }
0x66: {  	v11 =	vadd.f32 v12, v4;
	v12 =	vadd.f32 v13, v5;
	v13 =	vld [tilespmem:s19+$0x8010]  }
0x67: {  	v14 =	vadd.f32 v14, v6;
	v15 =	vadd.f32 v15, v7;
	v6 =	vld [tilespmem:s19+$0x8020]  }
0x68: {  	v5 =	vadd.f32 v16, v0;
	v4 =	vadd.f32 v17, v1;
	v7 =	vld [tilespmem:s19+$0x8030]  }
0x69: {  	v3 =	vadd.f32 v18, v2;
	v2 =	vadd.f32 v19, v8;
	v8 =	vld [tilespmem:s19+$0x8040]  }
0x6a: {  	v1 =	vadd.f32 v20, v11;
	v0 =	vadd.f32 v9, v12;
	v9 =	vld [tilespmem:s19+$0x8050]  }
0x6b: {  	s17 =	simm.s32 $0x80;
	s18 =	simm.s32 $0x400;
	v10 =	vadd.f32 v10, v14;
	v12 =	vld [tilespmem:s19+$0x8060];
	v11 =	vadd.f32 v13, v15  }
.LBB2_8:
0x6c: {  	p0 =	sne.s32 s18, $0x1FE00;
	v13 =	vld [tilespmem:s17+$0x8070];
	v5 =	vadd.f32 v6, v5  }
0x6d: {  	v14 =	vld [tilespmem:s17+$0x8000];
	v4 =	vadd.f32 v7, v4  }
0x6e: {  	v15 =	vld [tilespmem:s17+$0x8010];
	v3 =	vadd.f32 v8, v3  }
.Ltmp3:
0x6f: {  	v6 =	vld [tilespmem:s17+$0x8020];
	v2 =	vadd.f32 v9, v2;
	(pc) =	sbr.rel @p0 .LBB2_8-.Ltmp3, $4  }
0x70: {  	v7 =	vld [tilespmem:s17+$0x8030];
	v1 =	vadd.f32 v12, v1  }
0x71: {  	v8 =	vld [tilespmem:s17+$0x8040];
	v0 =	vadd.f32 v13, v0  }
0x72: {  	v10 =	vadd.f32 v14, v10;
	v9 =	vld [tilespmem:s17+$0x8050]  }
0x73: {  	v11 =	vadd.f32 v15, v11;
	v12 =	vld [tilespmem:s17+$0x8060];
	s17 =	sshra.s32 s18, $0x2;
	s18 =	sadd.s32 $0x200, s18  }
0x74: {  	v14 =	vld [tilespmem:s17+$0x8000]  }
0x75: {  	v15 =	vld [tilespmem:s17+$0x8010]  }
0x76: {  	v16 =	vld [tilespmem:s17+$0x8020]  }
0x77: {  	v17 =	vld [tilespmem:s17+$0x8030]  }
0x78: {  	v18 =	vld [tilespmem:s17+$0x8040]  }
0x79: {  	v5 =	vadd.f32 v6, v5;
	v61 =	vld [tilespmem:s17+$0x8050];
	v60 =	vadd.f32 v14, v10  }
0x7a: {  	v13 =	vld [tilespmem:s17+$0x8070];
	v4 =	vadd.f32 v7, v4;
	v62 =	vadd.f32 v15, v11  }
0x7b: {  	v63 =	vld [tilespmem:s17+$0x8060];
	v3 =	vadd.f32 v8, v3;
	v5 =	vadd.f32 v16, v5;
	[tilespmem:$0x10000] =	vst v60  }
0x7c: {  	v2 =	vadd.f32 v9, v2;
	v4 =	vadd.f32 v17, v4;
	[tilespmem:$0x10010] =	vst v62  }
0x7d: {  	v3 =	vadd.f32 v18, v3;
	[tilespmem:$0x10020] =	vst v5  }
0x7e: {  	v1 =	vadd.f32 v12, v1;
	v2 =	vadd.f32 v61, v2;
	[tilespmem:$0x10030] =	vst v4  }
0x7f: {  	v0 =	vadd.f32 v13, v0;
	[tilespmem:$0x10040] =	vst v3  }
0x80: {  	s16 =	sadd.s32 $0x1, s16;
	v1 =	vadd.f32 v63, v1;
	[tilespmem:$0x10050] =	vst v2  }
0x81: {  	p0 =	sne.s32 s16, s8;
	[tilespmem:$0x10070] =	vst v0  }
.Ltmp4:
0x82: {  	[tilespmem:$0x10060] =	vst v1;
	(pc) =	sbr.rel @p0 .LBB2_1-.Ltmp4, $4  }
0x83: {  	[hbm4b:s7+s2] =	stream.linear.scatter [tilespmem:s14], [sflag:$0x3], $0x80, $0x38;
	[tilespmem:$0x10080] =	vst v63  }
0x84: {  	_ =	swait.ge [sflag:s15], $0x80  }
0x85: {  	[sflag:s15] =	ssyncset.done $0x0  }
0x86: {  	[sflag:s15] =	ssyncadd.s32 $0xFFFFFF80  }
0x87: {  	_ =	sfence.sel $0x180000  }
0x88: {  	[bflag:$0x0] =	sbarrier.arrive $0xFFFF  }
0x89: {  	p0 =	sne.s32 s0, $0x0;
	_ =	strace $0x90000047  }
0x8a: {  	s0 =	sadd.s32 @!p0 $0x100000, s1;
	[bflag:$0x2] =	sbarrier.arrive $0xFFFF  }
0x8b: {  	[sflag:s0] =	ssyncadd.tile.s32 @!p0 $0x1;
	_ =	shalt  }
.Lfunc_end2:
_tile_overlayer_lowered:
.L_overlay_start_2:
0x8c: {  	(tag) =	ssettag $0x2  }
0x8d: {  	s0 =	rddreg [dreg:$0x0];
	s2 =	stileid.u32  }
0x8e: {  	s1 =	rddreg [dreg:$0x1];
	p0 =	sne.s32 s2, $0x0  }
0x8f: {  	s3 =	rddreg [dreg:$0x2];
	[bflag:$0x3] =	sbarrier.arrive $0xFFFF;
	s2 =	simm.s32 @!p0 $0x1C03  }
0x90: {  	[timem:s3], [sflag:s2] =	dma.local @!p0 [hbm:s0], s1  }
0x91: {  	s0 =	simm.s32 @!p0 $0x3  }
0x92: {  	_ =	swait.ge @!p0 [sflag:s0], s1  }
0x93: {  	s1 =	ssub.s32 @!p0 $0x0, s1;
	[sflag:s0] =	ssyncset.done @!p0 $0x0  }
0x94: {  	[sflag:s0] =	ssyncadd.s32 @!p0 s1  }
0x95: {  	[bflag:$0x3] =	sbarrier.arrive $0xFFFF  }
0x96: {  	_ =	shalt  }

</sc_bundles>
